<compile_context>
chip_gen: v7x
topology: tpu7x:2x2x1
jax: 0.10.2.dev20260603
libtpu: 0.0.44.dev20260713+nightly
codegen_flags: <defaults>
</compile_context>

<pallas_src>
import functools
import numpy as np
import jax
import jax.numpy as jnp
from jax import lax
from jax.experimental import pallas as pl
from jax.experimental.pallas import tpu as pltpu
from jax.experimental.pallas import tpu_sc as plsc

NSAMPLE = 16
RADIUS2 = np.float32(0.4 * 0.4)
L = 16
BQ = 16

def _build(Bv, Zv, Yv, Xv, M, NPTS, C, NW, NC):
    NWORDS = Bv * Zv * Yv * Xv
    NROWS = NWORDS // 8
    QPW = M // NW
    NB = QPW // BQ
    mesh = plsc.VectorSubcoreMesh(core_axis_name="c", subcore_axis_name="s")

    def spl(x):
        return jnp.full((L,), x, jnp.int32)

    @functools.partial(
        pl.kernel,
        mesh=mesh,
        out_type=(
            jax.ShapeDtypeStruct((M * C * NSAMPLE,), jnp.float32),
            jax.ShapeDtypeStruct((M * 3 * NSAMPLE,), jnp.float32),
            jax.ShapeDtypeStruct((M,), jnp.int32),
        ),
        scratch_types=[
            pltpu.VMEM((4 * QPW,), jnp.int32),
            pltpu.VMEM((4 * QPW,), jnp.float32),
            pltpu.VMEM((16,), jnp.int32),
            pltpu.VMEM((56 * BQ,), jnp.int32),
            pltpu.VMEM((56 * BQ, 8), jnp.int32),
            pltpu.VMEM((32 * BQ,), jnp.int32),
            pltpu.VMEM((32 * BQ,), jnp.int32),
            pltpu.VMEM((144 * BQ,), jnp.int32),
            pltpu.VMEM((16 * BQ, 8), jnp.float32),
            pltpu.VMEM((16, 8), jnp.float32),
            pltpu.VMEM((32 * BQ,), jnp.int32),
            pltpu.VMEM((16 * BQ,), jnp.int32),
            pltpu.VMEM((16 * BQ, C), jnp.float32),
            pltpu.VMEM((16 * BQ, 8), jnp.float32),
            pltpu.VMEM((C * NSAMPLE * BQ,), jnp.float32),
            pltpu.VMEM((3 * NSAMPLE * BQ,), jnp.float32),
            pltpu.VMEM((QPW,), jnp.int32),
            pltpu.VMEM((16 * BQ,), jnp.int32),
            pltpu.VMEM((16,), jnp.int32),
            pltpu.SemaphoreType.DMA,
            pltpu.SemaphoreType.DMA,
            pltpu.SemaphoreType.DMA,
            pltpu.SemaphoreType.DMA,
        ],
        compiler_params=pltpu.CompilerParams(needs_layout_passes=False,
                                             use_tc_tiling_on_sc=False),
    )
    def k(pi8, xyz4, feat, qc, qx, offs_h, gf_h, gx_h, mk_h,
          qc_v, qx_v, offs_v, idxrow_v, rows_v, rem_v, okzy_v, cand_v,
          xyzbuf_v, xyzx_v, sel_v, selall_v, featbuf_v, xyzselbuf_v,
          gfstage_v, gxstage_v, mask_v, cidxbuf_v, exidx_v, sem_rows, sem_xyz, sem_x2, sem_g):
        w = lax.axis_index("s") * NC + lax.axis_index("c")
        iota = lax.iota(jnp.int32, L)
        pltpu.sync_copy(qc.at[pl.ds(4 * QPW * w, 4 * QPW)], qc_v)
        pltpu.sync_copy(qx.at[pl.ds(4 * QPW * w, 4 * QPW)], qx_v)
        pltpu.sync_copy(offs_h, offs_v)

        def block(blk, blk_carry):
            def phase1(q, carry):
                plsc.store_scatter(idxrow_v, [spl(56 * q) + iota],
                                   spl(56 * q) + iota)
                plsc.store_scatter(idxrow_v, [spl(56 * q + 16) + iota],
                                   spl(56 * q + 16) + iota)
                plsc.store_scatter(idxrow_v, [spl(56 * q + 32) + iota],
                                   spl(56 * q + 32) + iota)
                plsc.store_scatter(idxrow_v, [spl(56 * q + 40) + iota],
                                   spl(56 * q + 40) + iota)
                return carry

            lax.fori_loop(0, BQ, phase1, 0)
            for i in range(7):
                pltpu.async_copy(
                    pi8.at[idxrow_v.at[pl.ds(128 * i, 128)]],
                    rows_v.at[pl.ds(128 * i, 128)], sem_rows)

            for i in range(7):
                pltpu.make_async_copy(
                    pi8.at[idxrow_v.at[pl.ds(128 * i, 128)]],
                    rows_v.at[pl.ds(128 * i, 128)], sem_rows).wait()

            def phase2(q, counts_v):
                cidxbuf_v[pl.ds(16 * q, L)] = spl(16 * q) + iota
                return counts_v

            counts_v = lax.fori_loop(0, BQ, phase2, jnp.zeros((L,), jnp.int32))
            xcps = [
                pltpu.async_copy(xyz4.at[cidxbuf_v.at[pl.ds(0, 128)]],
                                 xyzbuf_v.at[pl.ds(0, 128)], sem_xyz),
                pltpu.async_copy(xyz4.at[cidxbuf_v.at[pl.ds(128, 128)]],
                                 xyzbuf_v.at[pl.ds(128, 128)], sem_xyz),
            ]
            for cp in xcps:
                cp.wait()

            def phase3(q, carry):
                selall_v[pl.ds(16 * q, L)] = spl(16 * q) + iota
                plsc.store_scatter(mask_v, [spl(BQ * blk + q)], spl(0),
                                   mask=iota == 0)
                return carry

            lax.fori_loop(0, BQ, phase3, 0)

            cps = [
                pltpu.async_copy(feat.at[selall_v.at[pl.ds(0, 128)]],
                                 featbuf_v.at[pl.ds(0, 128)], sem_g),
                pltpu.async_copy(feat.at[selall_v.at[pl.ds(128, 128)]],
                                 featbuf_v.at[pl.ds(128, 128)], sem_g),
                pltpu.async_copy(xyz4.at[selall_v.at[pl.ds(0, 128)]],
                                 xyzselbuf_v.at[pl.ds(0, 128)], sem_g),
                pltpu.async_copy(xyz4.at[selall_v.at[pl.ds(128, 128)]],
                                 xyzselbuf_v.at[pl.ds(128, 128)], sem_g),
            ]
            for cp in cps:
                cp.wait()

            def phase4(q, carry):
                return carry

            lax.fori_loop(0, BQ, phase4, 0)
            mstart = QPW * w + BQ * blk
            pltpu.sync_copy(gfstage_v,
                            gf_h.at[pl.ds(C * NSAMPLE * mstart,
                                          C * NSAMPLE * BQ)])
            pltpu.sync_copy(gxstage_v,
                            gx_h.at[pl.ds(3 * NSAMPLE * mstart,
                                          3 * NSAMPLE * BQ)])
            return blk_carry

        lax.fori_loop(0, NB, block, 0)
        pltpu.sync_copy(mask_v, mk_h.at[pl.ds(QPW * w, QPW)])

    return k


def kernel(new_coords, xyz, xyz_batch_cnt, new_xyz, new_xyz_batch_cnt,
           features, voxel2point_indices):
    Bv, Zv, Yv, Xv = voxel2point_indices.shape
    M = new_coords.shape[0]
    NPTS = xyz.shape[0]
    C = features.shape[1]
    info = plsc.get_sparse_core_info()
    NC = info.num_cores
    NW = NC * info.num_subcores

    pi8 = voxel2point_indices.reshape(-1, 8)
    xyz4 = jnp.pad(xyz, ((0, 0), (0, 5)))
    qc = new_coords.reshape(-1)
    qx = jnp.pad(new_xyz, ((0, 0), (0, 1))).reshape(-1)
    offs = jnp.concatenate([
        jnp.zeros((1,), jnp.int32),
        jnp.cumsum(xyz_batch_cnt)[:-1].astype(jnp.int32)])
    offs16 = jnp.zeros((16,), jnp.int32).at[:offs.shape[0]].set(offs)

    k = _build(Bv, Zv, Yv, Xv, M, NPTS, C, NW, NC)
    gf, gx, mk = k(pi8, xyz4, features, qc, qx, offs16)
    return (gf.reshape(M, C, NSAMPLE), gx.reshape(M, 3, NSAMPLE),
            mk.astype(bool))

# --- scband reference (transcript-rebuilt; emitter-appended) ---
"""Pipeline reference for scband-voxel-query-and-grouping-781684048001 (READ-ONLY COPY).

The authoritative reference and input builder live on the scoring server;
editing this copy changes nothing except your own understanding.
"""

import jax, jax.numpy as jnp
import numpy as np

B = 2
Z, Y, X = 41, 200, 176
N_PER = 50000
M_PER = 4096
C = 32
NSAMPLE = 16
RADIUS = 0.4
Z_RANGE, Y_RANGE, X_RANGE = 2, 2, 2
VOXEL = 0.1


def setup_inputs() -> dict:
    rng = np.random.default_rng(0)
    N = B * N_PER
    vz = rng.integers(0, Z, size=N)
    vy = rng.integers(0, Y, size=N)
    vx = rng.integers(0, X, size=N)
    bid = np.repeat(np.arange(B), N_PER)
    xyz = np.stack([vx, vy, vz], 1).astype(np.float32) * VOXEL
    xyz = xyz + rng.normal(0.0, 0.02, xyz.shape).astype(np.float32)
    point_indices = np.full((B, Z, Y, X), -1, dtype=np.int32)
    point_indices[bid, vz, vy, vx] = np.arange(N, dtype=np.int32)
    sel = np.concatenate([rng.integers(b * N_PER, (b + 1) * N_PER, size=M_PER) for b in range(B)])
    qb = np.repeat(np.arange(B), M_PER).astype(np.int32)
    new_coords = np.stack([qb, vz[sel], vy[sel], vx[sel]], 1).astype(np.int32)
    new_xyz = np.stack([vx[sel], vy[sel], vz[sel]], 1).astype(np.float32) * VOXEL
    features = rng.normal(0.0, 1.0, (N, C)).astype(np.float32)
    return {
        'new_coords': jnp.asarray(new_coords),
        'xyz': jnp.asarray(xyz),
        'xyz_batch_cnt': jnp.full((B,), N_PER, dtype=jnp.int32),
        'new_xyz': jnp.asarray(new_xyz),
        'new_xyz_batch_cnt': jnp.full((B,), M_PER, dtype=jnp.int32),
        'features': jnp.asarray(features),
        'voxel2point_indices': jnp.asarray(point_indices),
    }


def _voxel_query(xyz, new_xyz, new_coords, point_indices):
    # Faithful port of voxel_query_wrapper CUDA kernel:
    # scan voxels in [-z_range..z_range] x [-y_range..y_range] x [-x_range..x_range]
    # (dz outer, dx inner, matching CUDA loop order), collect up to NSAMPLE point
    # indices whose squared distance to the query < RADIUS^2; pre-fill all slots
    # with the first hit; idx[:,0] == -1 marks empty balls.
    M = new_coords.shape[0]
    _, Zv, Yv, Xv = point_indices.shape
    dz, dy, dx = jnp.meshgrid(
        jnp.arange(-Z_RANGE, Z_RANGE + 1),
        jnp.arange(-Y_RANGE, Y_RANGE + 1),
        jnp.arange(-X_RANGE, X_RANGE + 1), indexing='ij')
    offs = jnp.stack([dz.ravel(), dy.ravel(), dx.ravel()], 1)  # (K, 3)
    cand = new_coords[:, None, 1:4] + offs[None, :, :]  # (M, K, 3)
    inb = ((cand[..., 0] >= 0) & (cand[..., 0] < Zv)
           & (cand[..., 1] >= 0) & (cand[..., 1] < Yv)
           & (cand[..., 2] >= 0) & (cand[..., 2] < Xv))
    cz = jnp.clip(cand[..., 0], 0, Zv - 1)
    cy = jnp.clip(cand[..., 1], 0, Yv - 1)
    cx = jnp.clip(cand[..., 2], 0, Xv - 1)
    pidx = point_indices[new_coords[:, 0][:, None], cz, cy, cx]  # (M, K)
    pts = xyz[jnp.maximum(pidx, 0)]  # (M, K, 3) gather
    d2 = jnp.sum((pts - new_xyz[:, None, :]) ** 2, axis=-1)
    valid = inb & (pidx >= 0) & (d2 < RADIUS * RADIUS)
    order = jnp.cumsum(valid.astype(jnp.int32), axis=1) - 1
    cnt = jnp.sum(valid.astype(jnp.int32), axis=1)
    first_pos = jnp.argmax(valid, axis=1)
    first_idx = jnp.take_along_axis(pidx, first_pos[:, None], axis=1)[:, 0]
    slot = jnp.where(valid & (order < NSAMPLE), order, NSAMPLE)  # overflow -> dummy col
    idx = jnp.broadcast_to(first_idx[:, None], (M, NSAMPLE + 1)).astype(jnp.int32)
    rows = jnp.broadcast_to(jnp.arange(M)[:, None], slot.shape)
    idx = idx.at[rows, slot].set(pidx.astype(jnp.int32))  # scatter-overwrite
    idx = idx[:, :NSAMPLE]
    empty = cnt == 0
    idx = jnp.where(empty[:, None], 0, idx)
    return idx, empty


def reference(new_coords, xyz, xyz_batch_cnt, new_xyz, new_xyz_batch_cnt, features, voxel2point_indices):
    idx, empty_ball_mask = _voxel_query(xyz, new_xyz, new_coords, voxel2point_indices)
    # per-batch offset subtraction (as in the python loop over bs_idx)
    offsets = jnp.concatenate([jnp.zeros((1,), jnp.int32),
                               jnp.cumsum(xyz_batch_cnt)[:-1].astype(jnp.int32)])
    q_off = jnp.repeat(offsets, new_xyz_batch_cnt, total_repeat_length=idx.shape[0])[:, None]
    idx_local = idx - q_off
    idx_local = jnp.where(empty_ball_mask[:, None], 0, idx_local)
    # grouping_operation: gather with per-batch offsets re-applied
    gidx = idx_local + q_off  # (M, NSAMPLE) global point indices
    grouped_xyz = jnp.transpose(xyz[gidx], (0, 2, 1))          # (M, 3, NSAMPLE)
    grouped_features = jnp.transpose(features[gidx], (0, 2, 1))  # (M, C, NSAMPLE)
    return grouped_features, grouped_xyz, empty_ball_mask

if __name__ == "__main__":
    import jax
    _d = setup_inputs()
    print(jax.jit(kernel)(*tuple(_d.values())))

</pallas_src>

<mosaic_0001>
#map = affine_map<(d0, d1) -> (0, 0)>
#map1 = affine_map<(d0, d1) -> (0)>
module attributes {stable_mosaic.version = 14 : i64} {
  func.func @k(%arg0: i32, %arg1: i32, %arg2: memref<360800x8xi32, #tpu.memory_space<hbm>>, %arg3: memref<100000x8xf32, #tpu.memory_space<hbm>>, %arg4: memref<100000x32xf32, #tpu.memory_space<hbm>>, %arg5: memref<32768xi32, #tpu.memory_space<hbm>>, %arg6: memref<32768xf32, #tpu.memory_space<hbm>>, %arg7: memref<16xi32, #tpu.memory_space<hbm>>, %arg8: memref<4194304xf32, #tpu.memory_space<hbm>>, %arg9: memref<393216xf32, #tpu.memory_space<hbm>>, %arg10: memref<8192xi32, #tpu.memory_space<hbm>>, %arg11: memref<1024xi32, #tpu.memory_space<vmem>>, %arg12: memref<1024xf32, #tpu.memory_space<vmem>>, %arg13: memref<16xi32, #tpu.memory_space<vmem>>, %arg14: memref<896xi32, #tpu.memory_space<vmem>>, %arg15: memref<896x8xi32, #tpu.memory_space<vmem>>, %arg16: memref<512xi32, #tpu.memory_space<vmem>>, %arg17: memref<512xi32, #tpu.memory_space<vmem>>, %arg18: memref<2304xi32, #tpu.memory_space<vmem>>, %arg19: memref<256x8xf32, #tpu.memory_space<vmem>>, %arg20: memref<16x8xf32, #tpu.memory_space<vmem>>, %arg21: memref<512xi32, #tpu.memory_space<vmem>>, %arg22: memref<256xi32, #tpu.memory_space<vmem>>, %arg23: memref<256x32xf32, #tpu.memory_space<vmem>>, %arg24: memref<256x8xf32, #tpu.memory_space<vmem>>, %arg25: memref<8192xf32, #tpu.memory_space<vmem>>, %arg26: memref<768xf32, #tpu.memory_space<vmem>>, %arg27: memref<256xi32, #tpu.memory_space<vmem>>, %arg28: memref<256xi32, #tpu.memory_space<vmem>>, %arg29: memref<16xi32, #tpu.memory_space<vmem>>, %arg30: memref<!tpu.dma_semaphore, #tpu.memory_space<semaphore_mem>>, %arg31: memref<!tpu.dma_semaphore, #tpu.memory_space<semaphore_mem>>, %arg32: memref<!tpu.dma_semaphore, #tpu.memory_space<semaphore_mem>>, %arg33: memref<!tpu.dma_semaphore, #tpu.memory_space<semaphore_mem>>) attributes {dimension_semantics = [#tpu.dimension_semantics<core_parallel>, #tpu.dimension_semantics<subcore_parallel>], iteration_bounds = array<i64: 2, 16>, scalar_prefetch = 0 : i64, scratch_operands = 23 : i64, tpu.core_type = #tpu.core_type<sc_vector_subcore>, window_params = [{transform_indices = #map}, {transform_indices = #map}, {transform_indices = #map}, {transform_indices = #map1}, {transform_indices = #map1}, {transform_indices = #map1}, {transform_indices = #map1}, {transform_indices = #map1}, {transform_indices = #map1}]} {
    %mul3A = arith.constant 2 : i32
    %mul3A_0 = arith.muli %arg1, %mul3A : i32
    %add3A = arith.addi %mul3A_0, %arg0 : i32
    %iota3A = tpu.iota {dimensions = array<i32: 0>} : vector<16xi32>
    %mul3A_1 = arith.constant 1024 : i32
    %mul3A_2 = arith.muli %mul3A_1, %add3A : i32
    "tpu.region"() ({
      %run_scoped3A = tpu.sem_alloc : memref<!tpu.dma_semaphore, #tpu.memory_space<semaphore_mem>>
      %dma_start3A = tpu.memref_slice %arg5[%mul3A_2] : memref<32768xi32, #tpu.memory_space<hbm>> -> memref<1024xi32, #tpu.memory_space<hbm>>
      %dma_start3A_12 = tpu.memref_slice %arg5[%mul3A_2] : memref<32768xi32, #tpu.memory_space<hbm>> -> memref<1024xi32, #tpu.memory_space<hbm>>
      tpu.enqueue_dma source(%dma_start3A_12 : memref<1024xi32, #tpu.memory_space<hbm>>) target(%arg11 : memref<1024xi32, #tpu.memory_space<vmem>>) target_semaphore(%run_scoped3A : memref<!tpu.dma_semaphore, #tpu.memory_space<semaphore_mem>>)
      %dma_wait3A = tpu.memref_slice %arg5[%mul3A_2] : memref<32768xi32, #tpu.memory_space<hbm>> -> memref<1024xi32, #tpu.memory_space<hbm>>
      %dma_wait3A_13 = tpu.memref_slice %arg5[%mul3A_2] : memref<32768xi32, #tpu.memory_space<hbm>> -> memref<1024xi32, #tpu.memory_space<hbm>>
      tpu.wait_dma2 semaphore(%run_scoped3A : memref<!tpu.dma_semaphore, #tpu.memory_space<semaphore_mem>>) src(%dma_wait3A_13 : memref<1024xi32, #tpu.memory_space<hbm>>) dst(%arg11 : memref<1024xi32, #tpu.memory_space<vmem>>)
      tpu.yield
    }) : () -> ()
    %mul3A_3 = arith.constant 1024 : i32
    %mul3A_4 = arith.muli %mul3A_3, %add3A : i32
    "tpu.region"() ({
      %run_scoped3A = tpu.sem_alloc : memref<!tpu.dma_semaphore, #tpu.memory_space<semaphore_mem>>
      %dma_start3A = tpu.memref_slice %arg6[%mul3A_4] : memref<32768xf32, #tpu.memory_space<hbm>> -> memref<1024xf32, #tpu.memory_space<hbm>>
      %dma_start3A_12 = tpu.memref_slice %arg6[%mul3A_4] : memref<32768xf32, #tpu.memory_space<hbm>> -> memref<1024xf32, #tpu.memory_space<hbm>>
      tpu.enqueue_dma source(%dma_start3A_12 : memref<1024xf32, #tpu.memory_space<hbm>>) target(%arg12 : memref<1024xf32, #tpu.memory_space<vmem>>) target_semaphore(%run_scoped3A : memref<!tpu.dma_semaphore, #tpu.memory_space<semaphore_mem>>)
      %dma_wait3A = tpu.memref_slice %arg6[%mul3A_4] : memref<32768xf32, #tpu.memory_space<hbm>> -> memref<1024xf32, #tpu.memory_space<hbm>>
      %dma_wait3A_13 = tpu.memref_slice %arg6[%mul3A_4] : memref<32768xf32, #tpu.memory_space<hbm>> -> memref<1024xf32, #tpu.memory_space<hbm>>
      tpu.wait_dma2 semaphore(%run_scoped3A : memref<!tpu.dma_semaphore, #tpu.memory_space<semaphore_mem>>) src(%dma_wait3A_13 : memref<1024xf32, #tpu.memory_space<hbm>>) dst(%arg12 : memref<1024xf32, #tpu.memory_space<vmem>>)
      tpu.yield
    }) : () -> ()
    "tpu.region"() ({
      %run_scoped3A = tpu.sem_alloc : memref<!tpu.dma_semaphore, #tpu.memory_space<semaphore_mem>>
      tpu.enqueue_dma source(%arg7 : memref<16xi32, #tpu.memory_space<hbm>>) target(%arg13 : memref<16xi32, #tpu.memory_space<vmem>>) target_semaphore(%run_scoped3A : memref<!tpu.dma_semaphore, #tpu.memory_space<semaphore_mem>>)
      tpu.wait_dma2 semaphore(%run_scoped3A : memref<!tpu.dma_semaphore, #tpu.memory_space<semaphore_mem>>) src(%arg7 : memref<16xi32, #tpu.memory_space<hbm>>) dst(%arg13 : memref<16xi32, #tpu.memory_space<vmem>>)
      tpu.yield
    }) : () -> ()
    %scan3A = arith.constant 0 : i32
    %scan3A_5 = arith.constant 0 : i32
    %scan3A_6 = arith.constant 16 : i32
    %scan3A_7 = arith.addi %scan3A_5, %scan3A_6 : i32
    %scan3A_8 = arith.constant 1 : i32
    scf.for %scan3A_12 = %scan3A_5 to %scan3A_7 step %scan3A_8  : i32 {
      %scan3A_13 = arith.constant 0 : i32
      %scan3A_14 = arith.constant 0 : i32
      %scan3A_15 = arith.constant 16 : i32
      %scan3A_16 = arith.addi %scan3A_14, %scan3A_15 : i32
      %scan3A_17 = arith.constant 1 : i32
      scf.for %scan3A_252 = %scan3A_14 to %scan3A_16 step %scan3A_17  : i32 {
        %mul3A_253 = arith.constant 56 : i32
        %mul3A_254 = arith.muli %mul3A_253, %scan3A_252 : i32
        %broadcast_in_dim3A_255 = vector.broadcast %mul3A_254 : i32 to vector<16xi32>
        %add3A_256 = arith.addi %broadcast_in_dim3A_255, %iota3A : vector<16xi32>
        %mul3A_257 = arith.constant 56 : i32
        %mul3A_258 = arith.muli %mul3A_257, %scan3A_252 : i32
        %broadcast_in_dim3A_259 = vector.broadcast %mul3A_258 : i32 to vector<16xi32>
        %add3A_260 = arith.addi %broadcast_in_dim3A_259, %iota3A : vector<16xi32>
        tpu.vector_store_idx %arg14[%add3A_256], %add3A_260 : memref<896xi32, #tpu.memory_space<vmem>>[vector<16xi32>], vector<16xi32>,
        %mul3A_261 = arith.constant 56 : i32
        %mul3A_262 = arith.muli %mul3A_261, %scan3A_252 : i32
        %add3A_263 = arith.constant 16 : i32
        %add3A_264 = arith.addi %mul3A_262, %add3A_263 : i32
        %broadcast_in_dim3A_265 = vector.broadcast %add3A_264 : i32 to vector<16xi32>
        %add3A_266 = arith.addi %broadcast_in_dim3A_265, %iota3A : vector<16xi32>
        %mul3A_267 = arith.constant 56 : i32
        %mul3A_268 = arith.muli %mul3A_267, %scan3A_252 : i32
        %add3A_269 = arith.constant 16 : i32
        %add3A_270 = arith.addi %mul3A_268, %add3A_269 : i32
        %broadcast_in_dim3A_271 = vector.broadcast %add3A_270 : i32 to vector<16xi32>
        %add3A_272 = arith.addi %broadcast_in_dim3A_271, %iota3A : vector<16xi32>
        tpu.vector_store_idx %arg14[%add3A_266], %add3A_272 : memref<896xi32, #tpu.memory_space<vmem>>[vector<16xi32>], vector<16xi32>,
        %mul3A_273 = arith.constant 56 : i32
        %mul3A_274 = arith.muli %mul3A_273, %scan3A_252 : i32
        %add3A_275 = arith.constant 32 : i32
        %add3A_276 = arith.addi %mul3A_274, %add3A_275 : i32
        %broadcast_in_dim3A_277 = vector.broadcast %add3A_276 : i32 to vector<16xi32>
        %add3A_278 = arith.addi %broadcast_in_dim3A_277, %iota3A : vector<16xi32>
        %mul3A_279 = arith.constant 56 : i32
        %mul3A_280 = arith.muli %mul3A_279, %scan3A_252 : i32
        %add3A_281 = arith.constant 32 : i32
        %add3A_282 = arith.addi %mul3A_280, %add3A_281 : i32
        %broadcast_in_dim3A_283 = vector.broadcast %add3A_282 : i32 to vector<16xi32>
        %add3A_284 = arith.addi %broadcast_in_dim3A_283, %iota3A : vector<16xi32>
        tpu.vector_store_idx %arg14[%add3A_278], %add3A_284 : memref<896xi32, #tpu.memory_space<vmem>>[vector<16xi32>], vector<16xi32>,
        %mul3A_285 = arith.constant 56 : i32
        %mul3A_286 = arith.muli %mul3A_285, %scan3A_252 : i32
        %add3A_287 = arith.constant 40 : i32
        %add3A_288 = arith.addi %mul3A_286, %add3A_287 : i32
        %broadcast_in_dim3A_289 = vector.broadcast %add3A_288 : i32 to vector<16xi32>
        %add3A_290 = arith.addi %broadcast_in_dim3A_289, %iota3A : vector<16xi32>
        %mul3A_291 = arith.constant 56 : i32
        %mul3A_292 = arith.muli %mul3A_291, %scan3A_252 : i32
        %add3A_293 = arith.constant 40 : i32
        %add3A_294 = arith.addi %mul3A_292, %add3A_293 : i32
        %broadcast_in_dim3A_295 = vector.broadcast %add3A_294 : i32 to vector<16xi32>
        %add3A_296 = arith.addi %broadcast_in_dim3A_295, %iota3A : vector<16xi32>
        tpu.vector_store_idx %arg14[%add3A_290], %add3A_296 : memref<896xi32, #tpu.memory_space<vmem>>[vector<16xi32>], vector<16xi32>,
      }
      %scan3A_18 = arith.constant 16 : i32
      %dma_start3A = arith.constant 0 : i32
      %dma_start3A_19 = arith.constant 0 : i32
      %dma_start3A_20 = tpu.memref_slice %arg15[%dma_start3A, %dma_start3A_19] : memref<896x8xi32, #tpu.memory_space<vmem>> -> memref<128x8xi32, #tpu.memory_space<vmem>>
      %dma_start3A_21 = arith.constant 0 : i32
      %dma_start3A_22 = tpu.memref_slice %arg14[%dma_start3A_21] : memref<896xi32, #tpu.memory_space<vmem>> -> memref<128xi32, #tpu.memory_space<vmem>>
      %dma_start3A_23 = arith.constant 0 : i32
      %dma_start3A_24 = arith.constant 0 : i32
      %dma_start3A_25 = tpu.memref_slice %arg2[%dma_start3A_23, %dma_start3A_24] : memref<360800x8xi32, #tpu.memory_space<hbm>> -> memref<360800x8xi32, #tpu.memory_space<hbm>>
      tpu.enqueue_indirect_dma source(%dma_start3A_25 : memref<360800x8xi32, #tpu.memory_space<hbm>>) target(%dma_start3A_20 : memref<128x8xi32, #tpu.memory_space<vmem>>) offsets(%dma_start3A_22 : memref<128xi32, #tpu.memory_space<vmem>>) semaphore(%arg30 : memref<!tpu.dma_semaphore, #tpu.memory_space<semaphore_mem>>)
      %dma_start3A_26 = arith.constant 128 : i32
      %dma_start3A_27 = arith.constant 0 : i32
      %dma_start3A_28 = tpu.memref_slice %arg15[%dma_start3A_26, %dma_start3A_27] : memref<896x8xi32, #tpu.memory_space<vmem>> -> memref<128x8xi32, #tpu.memory_space<vmem>>
      %dma_start3A_29 = arith.constant 128 : i32
      %dma_start3A_30 = tpu.memref_slice %arg14[%dma_start3A_29] : memref<896xi32, #tpu.memory_space<vmem>> -> memref<128xi32, #tpu.memory_space<vmem>>
      %dma_start3A_31 = arith.constant 0 : i32
      %dma_start3A_32 = arith.constant 0 : i32
      %dma_start3A_33 = tpu.memref_slice %arg2[%dma_start3A_31, %dma_start3A_32] : memref<360800x8xi32, #tpu.memory_space<hbm>> -> memref<360800x8xi32, #tpu.memory_space<hbm>>
      tpu.enqueue_indirect_dma source(%dma_start3A_33 : memref<360800x8xi32, #tpu.memory_space<hbm>>) target(%dma_start3A_28 : memref<128x8xi32, #tpu.memory_space<vmem>>) offsets(%dma_start3A_30 : memref<128xi32, #tpu.memory_space<vmem>>) semaphore(%arg30 : memref<!tpu.dma_semaphore, #tpu.memory_space<semaphore_mem>>)
      %dma_start3A_34 = arith.constant 256 : i32
      %dma_start3A_35 = arith.constant 0 : i32
      %dma_start3A_36 = tpu.memref_slice %arg15[%dma_start3A_34, %dma_start3A_35] : memref<896x8xi32, #tpu.memory_space<vmem>> -> memref<128x8xi32, #tpu.memory_space<vmem>>
      %dma_start3A_37 = arith.constant 256 : i32
      %dma_start3A_38 = tpu.memref_slice %arg14[%dma_start3A_37] : memref<896xi32, #tpu.memory_space<vmem>> -> memref<128xi32, #tpu.memory_space<vmem>>
      %dma_start3A_39 = arith.constant 0 : i32
      %dma_start3A_40 = arith.constant 0 : i32
      %dma_start3A_41 = tpu.memref_slice %arg2[%dma_start3A_39, %dma_start3A_40] : memref<360800x8xi32, #tpu.memory_space<hbm>> -> memref<360800x8xi32, #tpu.memory_space<hbm>>
      tpu.enqueue_indirect_dma source(%dma_start3A_41 : memref<360800x8xi32, #tpu.memory_space<hbm>>) target(%dma_start3A_36 : memref<128x8xi32, #tpu.memory_space<vmem>>) offsets(%dma_start3A_38 : memref<128xi32, #tpu.memory_space<vmem>>) semaphore(%arg30 : memref<!tpu.dma_semaphore, #tpu.memory_space<semaphore_mem>>)
      %dma_start3A_42 = arith.constant 384 : i32
      %dma_start3A_43 = arith.constant 0 : i32
      %dma_start3A_44 = tpu.memref_slice %arg15[%dma_start3A_42, %dma_start3A_43] : memref<896x8xi32, #tpu.memory_space<vmem>> -> memref<128x8xi32, #tpu.memory_space<vmem>>
      %dma_start3A_45 = arith.constant 384 : i32
      %dma_start3A_46 = tpu.memref_slice %arg14[%dma_start3A_45] : memref<896xi32, #tpu.memory_space<vmem>> -> memref<128xi32, #tpu.memory_space<vmem>>
      %dma_start3A_47 = arith.constant 0 : i32
      %dma_start3A_48 = arith.constant 0 : i32
      %dma_start3A_49 = tpu.memref_slice %arg2[%dma_start3A_47, %dma_start3A_48] : memref<360800x8xi32, #tpu.memory_space<hbm>> -> memref<360800x8xi32, #tpu.memory_space<hbm>>
      tpu.enqueue_indirect_dma source(%dma_start3A_49 : memref<360800x8xi32, #tpu.memory_space<hbm>>) target(%dma_start3A_44 : memref<128x8xi32, #tpu.memory_space<vmem>>) offsets(%dma_start3A_46 : memref<128xi32, #tpu.memory_space<vmem>>) semaphore(%arg30 : memref<!tpu.dma_semaphore, #tpu.memory_space<semaphore_mem>>)
      %dma_start3A_50 = arith.constant 512 : i32
      %dma_start3A_51 = arith.constant 0 : i32
      %dma_start3A_52 = tpu.memref_slice %arg15[%dma_start3A_50, %dma_start3A_51] : memref<896x8xi32, #tpu.memory_space<vmem>> -> memref<128x8xi32, #tpu.memory_space<vmem>>
      %dma_start3A_53 = arith.constant 512 : i32
      %dma_start3A_54 = tpu.memref_slice %arg14[%dma_start3A_53] : memref<896xi32, #tpu.memory_space<vmem>> -> memref<128xi32, #tpu.memory_space<vmem>>
      %dma_start3A_55 = arith.constant 0 : i32
      %dma_start3A_56 = arith.constant 0 : i32
      %dma_start3A_57 = tpu.memref_slice %arg2[%dma_start3A_55, %dma_start3A_56] : memref<360800x8xi32, #tpu.memory_space<hbm>> -> memref<360800x8xi32, #tpu.memory_space<hbm>>
      tpu.enqueue_indirect_dma source(%dma_start3A_57 : memref<360800x8xi32, #tpu.memory_space<hbm>>) target(%dma_start3A_52 : memref<128x8xi32, #tpu.memory_space<vmem>>) offsets(%dma_start3A_54 : memref<128xi32, #tpu.memory_space<vmem>>) semaphore(%arg30 : memref<!tpu.dma_semaphore, #tpu.memory_space<semaphore_mem>>)
      %dma_start3A_58 = arith.constant 640 : i32
      %dma_start3A_59 = arith.constant 0 : i32
      %dma_start3A_60 = tpu.memref_slice %arg15[%dma_start3A_58, %dma_start3A_59] : memref<896x8xi32, #tpu.memory_space<vmem>> -> memref<128x8xi32, #tpu.memory_space<vmem>>
      %dma_start3A_61 = arith.constant 640 : i32
      %dma_start3A_62 = tpu.memref_slice %arg14[%dma_start3A_61] : memref<896xi32, #tpu.memory_space<vmem>> -> memref<128xi32, #tpu.memory_space<vmem>>
      %dma_start3A_63 = arith.constant 0 : i32
      %dma_start3A_64 = arith.constant 0 : i32
      %dma_start3A_65 = tpu.memref_slice %arg2[%dma_start3A_63, %dma_start3A_64] : memref<360800x8xi32, #tpu.memory_space<hbm>> -> memref<360800x8xi32, #tpu.memory_space<hbm>>
      tpu.enqueue_indirect_dma source(%dma_start3A_65 : memref<360800x8xi32, #tpu.memory_space<hbm>>) target(%dma_start3A_60 : memref<128x8xi32, #tpu.memory_space<vmem>>) offsets(%dma_start3A_62 : memref<128xi32, #tpu.memory_space<vmem>>) semaphore(%arg30 : memref<!tpu.dma_semaphore, #tpu.memory_space<semaphore_mem>>)
      %dma_start3A_66 = arith.constant 768 : i32
      %dma_start3A_67 = arith.constant 0 : i32
      %dma_start3A_68 = tpu.memref_slice %arg15[%dma_start3A_66, %dma_start3A_67] : memref<896x8xi32, #tpu.memory_space<vmem>> -> memref<128x8xi32, #tpu.memory_space<vmem>>
      %dma_start3A_69 = arith.constant 768 : i32
      %dma_start3A_70 = tpu.memref_slice %arg14[%dma_start3A_69] : memref<896xi32, #tpu.memory_space<vmem>> -> memref<128xi32, #tpu.memory_space<vmem>>
      %dma_start3A_71 = arith.constant 0 : i32
      %dma_start3A_72 = arith.constant 0 : i32
      %dma_start3A_73 = tpu.memref_slice %arg2[%dma_start3A_71, %dma_start3A_72] : memref<360800x8xi32, #tpu.memory_space<hbm>> -> memref<360800x8xi32, #tpu.memory_space<hbm>>
      tpu.enqueue_indirect_dma source(%dma_start3A_73 : memref<360800x8xi32, #tpu.memory_space<hbm>>) target(%dma_start3A_68 : memref<128x8xi32, #tpu.memory_space<vmem>>) offsets(%dma_start3A_70 : memref<128xi32, #tpu.memory_space<vmem>>) semaphore(%arg30 : memref<!tpu.dma_semaphore, #tpu.memory_space<semaphore_mem>>)
      %dma_wait3A = arith.constant 0 : i32
      %dma_wait3A_74 = arith.constant 0 : i32
      %dma_wait3A_75 = tpu.memref_slice %arg15[%dma_wait3A, %dma_wait3A_74] : memref<896x8xi32, #tpu.memory_space<vmem>> -> memref<128x8xi32, #tpu.memory_space<vmem>>
      %dma_wait3A_76 = arith.constant 0 : i32
      %dma_wait3A_77 = tpu.memref_slice %arg14[%dma_wait3A_76] : memref<896xi32, #tpu.memory_space<vmem>> -> memref<128xi32, #tpu.memory_space<vmem>>
      %dma_wait3A_78 = arith.constant 0 : i32
      %dma_wait3A_79 = arith.constant 0 : i32
      %dma_wait3A_80 = tpu.memref_slice %arg2[%dma_wait3A_78, %dma_wait3A_79] : memref<360800x8xi32, #tpu.memory_space<hbm>> -> memref<360800x8xi32, #tpu.memory_space<hbm>>
      tpu.wait_indirect_dma semaphore(%arg30 : memref<!tpu.dma_semaphore, #tpu.memory_space<semaphore_mem>>) src(%dma_wait3A_80 : memref<360800x8xi32, #tpu.memory_space<hbm>>) dst(%dma_wait3A_75 : memref<128x8xi32, #tpu.memory_space<vmem>>)
      %dma_wait3A_81 = arith.constant 128 : i32
      %dma_wait3A_82 = arith.constant 0 : i32
      %dma_wait3A_83 = tpu.memref_slice %arg15[%dma_wait3A_81, %dma_wait3A_82] : memref<896x8xi32, #tpu.memory_space<vmem>> -> memref<128x8xi32, #tpu.memory_space<vmem>>
      %dma_wait3A_84 = arith.constant 128 : i32
      %dma_wait3A_85 = tpu.memref_slice %arg14[%dma_wait3A_84] : memref<896xi32, #tpu.memory_space<vmem>> -> memref<128xi32, #tpu.memory_space<vmem>>
      %dma_wait3A_86 = arith.constant 0 : i32
      %dma_wait3A_87 = arith.constant 0 : i32
      %dma_wait3A_88 = tpu.memref_slice %arg2[%dma_wait3A_86, %dma_wait3A_87] : memref<360800x8xi32, #tpu.memory_space<hbm>> -> memref<360800x8xi32, #tpu.memory_space<hbm>>
      tpu.wait_indirect_dma semaphore(%arg30 : memref<!tpu.dma_semaphore, #tpu.memory_space<semaphore_mem>>) src(%dma_wait3A_88 : memref<360800x8xi32, #tpu.memory_space<hbm>>) dst(%dma_wait3A_83 : memref<128x8xi32, #tpu.memory_space<vmem>>)
      %dma_wait3A_89 = arith.constant 256 : i32
      %dma_wait3A_90 = arith.constant 0 : i32
      %dma_wait3A_91 = tpu.memref_slice %arg15[%dma_wait3A_89, %dma_wait3A_90] : memref<896x8xi32, #tpu.memory_space<vmem>> -> memref<128x8xi32, #tpu.memory_space<vmem>>
      %dma_wait3A_92 = arith.constant 256 : i32
      %dma_wait3A_93 = tpu.memref_slice %arg14[%dma_wait3A_92] : memref<896xi32, #tpu.memory_space<vmem>> -> memref<128xi32, #tpu.memory_space<vmem>>
      %dma_wait3A_94 = arith.constant 0 : i32
      %dma_wait3A_95 = arith.constant 0 : i32
      %dma_wait3A_96 = tpu.memref_slice %arg2[%dma_wait3A_94, %dma_wait3A_95] : memref<360800x8xi32, #tpu.memory_space<hbm>> -> memref<360800x8xi32, #tpu.memory_space<hbm>>
      tpu.wait_indirect_dma semaphore(%arg30 : memref<!tpu.dma_semaphore, #tpu.memory_space<semaphore_mem>>) src(%dma_wait3A_96 : memref<360800x8xi32, #tpu.memory_space<hbm>>) dst(%dma_wait3A_91 : memref<128x8xi32, #tpu.memory_space<vmem>>)
      %dma_wait3A_97 = arith.constant 384 : i32
      %dma_wait3A_98 = arith.constant 0 : i32
      %dma_wait3A_99 = tpu.memref_slice %arg15[%dma_wait3A_97, %dma_wait3A_98] : memref<896x8xi32, #tpu.memory_space<vmem>> -> memref<128x8xi32, #tpu.memory_space<vmem>>
      %dma_wait3A_100 = arith.constant 384 : i32
      %dma_wait3A_101 = tpu.memref_slice %arg14[%dma_wait3A_100] : memref<896xi32, #tpu.memory_space<vmem>> -> memref<128xi32, #tpu.memory_space<vmem>>
      %dma_wait3A_102 = arith.constant 0 : i32
      %dma_wait3A_103 = arith.constant 0 : i32
      %dma_wait3A_104 = tpu.memref_slice %arg2[%dma_wait3A_102, %dma_wait3A_103] : memref<360800x8xi32, #tpu.memory_space<hbm>> -> memref<360800x8xi32, #tpu.memory_space<hbm>>
      tpu.wait_indirect_dma semaphore(%arg30 : memref<!tpu.dma_semaphore, #tpu.memory_space<semaphore_mem>>) src(%dma_wait3A_104 : memref<360800x8xi32, #tpu.memory_space<hbm>>) dst(%dma_wait3A_99 : memref<128x8xi32, #tpu.memory_space<vmem>>)
      %dma_wait3A_105 = arith.constant 512 : i32
      %dma_wait3A_106 = arith.constant 0 : i32
      %dma_wait3A_107 = tpu.memref_slice %arg15[%dma_wait3A_105, %dma_wait3A_106] : memref<896x8xi32, #tpu.memory_space<vmem>> -> memref<128x8xi32, #tpu.memory_space<vmem>>
      %dma_wait3A_108 = arith.constant 512 : i32
      %dma_wait3A_109 = tpu.memref_slice %arg14[%dma_wait3A_108] : memref<896xi32, #tpu.memory_space<vmem>> -> memref<128xi32, #tpu.memory_space<vmem>>
      %dma_wait3A_110 = arith.constant 0 : i32
      %dma_wait3A_111 = arith.constant 0 : i32
      %dma_wait3A_112 = tpu.memref_slice %arg2[%dma_wait3A_110, %dma_wait3A_111] : memref<360800x8xi32, #tpu.memory_space<hbm>> -> memref<360800x8xi32, #tpu.memory_space<hbm>>
      tpu.wait_indirect_dma semaphore(%arg30 : memref<!tpu.dma_semaphore, #tpu.memory_space<semaphore_mem>>) src(%dma_wait3A_112 : memref<360800x8xi32, #tpu.memory_space<hbm>>) dst(%dma_wait3A_107 : memref<128x8xi32, #tpu.memory_space<vmem>>)
      %dma_wait3A_113 = arith.constant 640 : i32
      %dma_wait3A_114 = arith.constant 0 : i32
      %dma_wait3A_115 = tpu.memref_slice %arg15[%dma_wait3A_113, %dma_wait3A_114] : memref<896x8xi32, #tpu.memory_space<vmem>> -> memref<128x8xi32, #tpu.memory_space<vmem>>
      %dma_wait3A_116 = arith.constant 640 : i32
      %dma_wait3A_117 = tpu.memref_slice %arg14[%dma_wait3A_116] : memref<896xi32, #tpu.memory_space<vmem>> -> memref<128xi32, #tpu.memory_space<vmem>>
      %dma_wait3A_118 = arith.constant 0 : i32
      %dma_wait3A_119 = arith.constant 0 : i32
      %dma_wait3A_120 = tpu.memref_slice %arg2[%dma_wait3A_118, %dma_wait3A_119] : memref<360800x8xi32, #tpu.memory_space<hbm>> -> memref<360800x8xi32, #tpu.memory_space<hbm>>
      tpu.wait_indirect_dma semaphore(%arg30 : memref<!tpu.dma_semaphore, #tpu.memory_space<semaphore_mem>>) src(%dma_wait3A_120 : memref<360800x8xi32, #tpu.memory_space<hbm>>) dst(%dma_wait3A_115 : memref<128x8xi32, #tpu.memory_space<vmem>>)
      %dma_wait3A_121 = arith.constant 768 : i32
      %dma_wait3A_122 = arith.constant 0 : i32
      %dma_wait3A_123 = tpu.memref_slice %arg15[%dma_wait3A_121, %dma_wait3A_122] : memref<896x8xi32, #tpu.memory_space<vmem>> -> memref<128x8xi32, #tpu.memory_space<vmem>>
      %dma_wait3A_124 = arith.constant 768 : i32
      %dma_wait3A_125 = tpu.memref_slice %arg14[%dma_wait3A_124] : memref<896xi32, #tpu.memory_space<vmem>> -> memref<128xi32, #tpu.memory_space<vmem>>
      %dma_wait3A_126 = arith.constant 0 : i32
      %dma_wait3A_127 = arith.constant 0 : i32
      %dma_wait3A_128 = tpu.memref_slice %arg2[%dma_wait3A_126, %dma_wait3A_127] : memref<360800x8xi32, #tpu.memory_space<hbm>> -> memref<360800x8xi32, #tpu.memory_space<hbm>>
      tpu.wait_indirect_dma semaphore(%arg30 : memref<!tpu.dma_semaphore, #tpu.memory_space<semaphore_mem>>) src(%dma_wait3A_128 : memref<360800x8xi32, #tpu.memory_space<hbm>>) dst(%dma_wait3A_123 : memref<128x8xi32, #tpu.memory_space<vmem>>)
      %broadcast_in_dim3A = arith.constant 0 : i32
      %broadcast_in_dim3A_129 = vector.broadcast %broadcast_in_dim3A : i32 to vector<16xi32>
      %scan3A_130 = arith.constant 0 : i32
      %scan3A_131 = arith.constant 16 : i32
      %scan3A_132 = arith.addi %scan3A_130, %scan3A_131 : i32
      %scan3A_133 = arith.constant 1 : i32
      scf.for %scan3A_252 = %scan3A_130 to %scan3A_132 step %scan3A_133  : i32 {
        %mul3A_253 = arith.constant 16 : i32
        %mul3A_254 = arith.muli %mul3A_253, %scan3A_252 : i32
        %broadcast_in_dim3A_255 = vector.broadcast %mul3A_254 : i32 to vector<16xi32>
        %add3A_256 = arith.addi %broadcast_in_dim3A_255, %iota3A : vector<16xi32>
        %mul3A_257 = arith.constant 16 : i32
        %mul3A_258 = arith.muli %mul3A_257, %scan3A_252 : i32
        %swap3A = arith.index_cast %mul3A_258 : i32 to index
        %swap3A_259 = tpu.vector_load %arg28[%swap3A] {strides = array<i32>} : memref<256xi32, #tpu.memory_space<vmem>>, vector<16xi32>,
        tpu.vector_store %arg28[%swap3A], %add3A_256 {strides = array<i32>} : memref<256xi32, #tpu.memory_space<vmem>>, vector<16xi32>,
      }
      %scan3A_134 = arith.constant 16 : i32
      %dma_start3A_135 = arith.constant 0 : i32
      %dma_start3A_136 = arith.constant 0 : i32
      %dma_start3A_137 = tpu.memref_slice %arg19[%dma_start3A_135, %dma_start3A_136] : memref<256x8xf32, #tpu.memory_space<vmem>> -> memref<128x8xf32, #tpu.memory_space<vmem>>
      %dma_start3A_138 = arith.constant 0 : i32
      %dma_start3A_139 = tpu.memref_slice %arg28[%dma_start3A_138] : memref<256xi32, #tpu.memory_space<vmem>> -> memref<128xi32, #tpu.memory_space<vmem>>
      %dma_start3A_140 = arith.constant 0 : i32
      %dma_start3A_141 = arith.constant 0 : i32
      %dma_start3A_142 = tpu.memref_slice %arg3[%dma_start3A_140, %dma_start3A_141] : memref<100000x8xf32, #tpu.memory_space<hbm>> -> memref<100000x8xf32, #tpu.memory_space<hbm>>
      tpu.enqueue_indirect_dma source(%dma_start3A_142 : memref<100000x8xf32, #tpu.memory_space<hbm>>) target(%dma_start3A_137 : memref<128x8xf32, #tpu.memory_space<vmem>>) offsets(%dma_start3A_139 : memref<128xi32, #tpu.memory_space<vmem>>) semaphore(%arg31 : memref<!tpu.dma_semaphore, #tpu.memory_space<semaphore_mem>>)
      %dma_start3A_143 = arith.constant 128 : i32
      %dma_start3A_144 = arith.constant 0 : i32
      %dma_start3A_145 = tpu.memref_slice %arg19[%dma_start3A_143, %dma_start3A_144] : memref<256x8xf32, #tpu.memory_space<vmem>> -> memref<128x8xf32, #tpu.memory_space<vmem>>
      %dma_start3A_146 = arith.constant 128 : i32
      %dma_start3A_147 = tpu.memref_slice %arg28[%dma_start3A_146] : memref<256xi32, #tpu.memory_space<vmem>> -> memref<128xi32, #tpu.memory_space<vmem>>
      %dma_start3A_148 = arith.constant 0 : i32
      %dma_start3A_149 = arith.constant 0 : i32
      %dma_start3A_150 = tpu.memref_slice %arg3[%dma_start3A_148, %dma_start3A_149] : memref<100000x8xf32, #tpu.memory_space<hbm>> -> memref<100000x8xf32, #tpu.memory_space<hbm>>
      tpu.enqueue_indirect_dma source(%dma_start3A_150 : memref<100000x8xf32, #tpu.memory_space<hbm>>) target(%dma_start3A_145 : memref<128x8xf32, #tpu.memory_space<vmem>>) offsets(%dma_start3A_147 : memref<128xi32, #tpu.memory_space<vmem>>) semaphore(%arg31 : memref<!tpu.dma_semaphore, #tpu.memory_space<semaphore_mem>>)
      %dma_wait3A_151 = arith.constant 0 : i32
      %dma_wait3A_152 = arith.constant 0 : i32
      %dma_wait3A_153 = tpu.memref_slice %arg19[%dma_wait3A_151, %dma_wait3A_152] : memref<256x8xf32, #tpu.memory_space<vmem>> -> memref<128x8xf32, #tpu.memory_space<vmem>>
      %dma_wait3A_154 = arith.constant 0 : i32
      %dma_wait3A_155 = tpu.memref_slice %arg28[%dma_wait3A_154] : memref<256xi32, #tpu.memory_space<vmem>> -> memref<128xi32, #tpu.memory_space<vmem>>
      %dma_wait3A_156 = arith.constant 0 : i32
      %dma_wait3A_157 = arith.constant 0 : i32
      %dma_wait3A_158 = tpu.memref_slice %arg3[%dma_wait3A_156, %dma_wait3A_157] : memref<100000x8xf32, #tpu.memory_space<hbm>> -> memref<100000x8xf32, #tpu.memory_space<hbm>>
      tpu.wait_indirect_dma semaphore(%arg31 : memref<!tpu.dma_semaphore, #tpu.memory_space<semaphore_mem>>) src(%dma_wait3A_158 : memref<100000x8xf32, #tpu.memory_space<hbm>>) dst(%dma_wait3A_153 : memref<128x8xf32, #tpu.memory_space<vmem>>)
      %dma_wait3A_159 = arith.constant 128 : i32
      %dma_wait3A_160 = arith.constant 0 : i32
      %dma_wait3A_161 = tpu.memref_slice %arg19[%dma_wait3A_159, %dma_wait3A_160] : memref<256x8xf32, #tpu.memory_space<vmem>> -> memref<128x8xf32, #tpu.memory_space<vmem>>
      %dma_wait3A_162 = arith.constant 128 : i32
      %dma_wait3A_163 = tpu.memref_slice %arg28[%dma_wait3A_162] : memref<256xi32, #tpu.memory_space<vmem>> -> memref<128xi32, #tpu.memory_space<vmem>>
      %dma_wait3A_164 = arith.constant 0 : i32
      %dma_wait3A_165 = arith.constant 0 : i32
      %dma_wait3A_166 = tpu.memref_slice %arg3[%dma_wait3A_164, %dma_wait3A_165] : memref<100000x8xf32, #tpu.memory_space<hbm>> -> memref<100000x8xf32, #tpu.memory_space<hbm>>
      tpu.wait_indirect_dma semaphore(%arg31 : memref<!tpu.dma_semaphore, #tpu.memory_space<semaphore_mem>>) src(%dma_wait3A_166 : memref<100000x8xf32, #tpu.memory_space<hbm>>) dst(%dma_wait3A_161 : memref<128x8xf32, #tpu.memory_space<vmem>>)
      %scan3A_167 = arith.constant 0 : i32
      %scan3A_168 = arith.constant 0 : i32
      %scan3A_169 = arith.constant 16 : i32
      %scan3A_170 = arith.addi %scan3A_168, %scan3A_169 : i32
      %scan3A_171 = arith.constant 1 : i32
      scf.for %scan3A_252 = %scan3A_168 to %scan3A_170 step %scan3A_171  : i32 {
        %mul3A_253 = arith.constant 16 : i32
        %mul3A_254 = arith.muli %mul3A_253, %scan3A_252 : i32
        %broadcast_in_dim3A_255 = vector.broadcast %mul3A_254 : i32 to vector<16xi32>
        %add3A_256 = arith.addi %broadcast_in_dim3A_255, %iota3A : vector<16xi32>
        %mul3A_257 = arith.constant 16 : i32
        %mul3A_258 = arith.muli %mul3A_257, %scan3A_252 : i32
        %swap3A = arith.index_cast %mul3A_258 : i32 to index
        %swap3A_259 = tpu.vector_load %arg22[%swap3A] {strides = array<i32>} : memref<256xi32, #tpu.memory_space<vmem>>, vector<16xi32>,
        tpu.vector_store %arg22[%swap3A], %add3A_256 {strides = array<i32>} : memref<256xi32, #tpu.memory_space<vmem>>, vector<16xi32>,
        %mul3A_260 = arith.constant 16 : i32
        %mul3A_261 = arith.muli %mul3A_260, %scan3A_12 : i32
        %add3A_262 = arith.addi %mul3A_261, %scan3A_252 : i32
        %broadcast_in_dim3A_263 = vector.broadcast %add3A_262 : i32 to vector<16xi32>
        %broadcast_in_dim3A_264 = arith.constant 0 : i32
        %broadcast_in_dim3A_265 = vector.broadcast %broadcast_in_dim3A_264 : i32 to vector<16xi32>
        %eq3A = arith.constant 0 : i32
        %eq3A_266 = vector.broadcast %eq3A : i32 to vector<16xi32>
        %eq3A_267 = arith.cmpi eq, %iota3A, %eq3A_266 : vector<16xi32>
        tpu.vector_store_idx %arg27[%broadcast_in_dim3A_263], %broadcast_in_dim3A_265 masked %eq3A_267 : memref<256xi32, #tpu.memory_space<vmem>>[vector<16xi32>], vector<16xi32>, vector<16xi1>
      }
      %scan3A_172 = arith.constant 16 : i32
      %dma_start3A_173 = arith.constant 0 : i32
      %dma_start3A_174 = arith.constant 0 : i32
      %dma_start3A_175 = tpu.memref_slice %arg23[%dma_start3A_173, %dma_start3A_174] : memref<256x32xf32, #tpu.memory_space<vmem>> -> memref<128x32xf32, #tpu.memory_space<vmem>>
      %dma_start3A_176 = arith.constant 0 : i32
      %dma_start3A_177 = tpu.memref_slice %arg22[%dma_start3A_176] : memref<256xi32, #tpu.memory_space<vmem>> -> memref<128xi32, #tpu.memory_space<vmem>>
      %dma_start3A_178 = arith.constant 0 : i32
      %dma_start3A_179 = arith.constant 0 : i32
      %dma_start3A_180 = tpu.memref_slice %arg4[%dma_start3A_178, %dma_start3A_179] : memref<100000x32xf32, #tpu.memory_space<hbm>> -> memref<100000x32xf32, #tpu.memory_space<hbm>>
      tpu.enqueue_indirect_dma source(%dma_start3A_180 : memref<100000x32xf32, #tpu.memory_space<hbm>>) target(%dma_start3A_175 : memref<128x32xf32, #tpu.memory_space<vmem>>) offsets(%dma_start3A_177 : memref<128xi32, #tpu.memory_space<vmem>>) semaphore(%arg33 : memref<!tpu.dma_semaphore, #tpu.memory_space<semaphore_mem>>)
      %dma_start3A_181 = arith.constant 128 : i32
      %dma_start3A_182 = arith.constant 0 : i32
      %dma_start3A_183 = tpu.memref_slice %arg23[%dma_start3A_181, %dma_start3A_182] : memref<256x32xf32, #tpu.memory_space<vmem>> -> memref<128x32xf32, #tpu.memory_space<vmem>>
      %dma_start3A_184 = arith.constant 128 : i32
      %dma_start3A_185 = tpu.memref_slice %arg22[%dma_start3A_184] : memref<256xi32, #tpu.memory_space<vmem>> -> memref<128xi32, #tpu.memory_space<vmem>>
      %dma_start3A_186 = arith.constant 0 : i32
      %dma_start3A_187 = arith.constant 0 : i32
      %dma_start3A_188 = tpu.memref_slice %arg4[%dma_start3A_186, %dma_start3A_187] : memref<100000x32xf32, #tpu.memory_space<hbm>> -> memref<100000x32xf32, #tpu.memory_space<hbm>>
      tpu.enqueue_indirect_dma source(%dma_start3A_188 : memref<100000x32xf32, #tpu.memory_space<hbm>>) target(%dma_start3A_183 : memref<128x32xf32, #tpu.memory_space<vmem>>) offsets(%dma_start3A_185 : memref<128xi32, #tpu.memory_space<vmem>>) semaphore(%arg33 : memref<!tpu.dma_semaphore, #tpu.memory_space<semaphore_mem>>)
      %dma_start3A_189 = arith.constant 0 : i32
      %dma_start3A_190 = arith.constant 0 : i32
      %dma_start3A_191 = tpu.memref_slice %arg24[%dma_start3A_189, %dma_start3A_190] : memref<256x8xf32, #tpu.memory_space<vmem>> -> memref<128x8xf32, #tpu.memory_space<vmem>>
      %dma_start3A_192 = arith.constant 0 : i32
      %dma_start3A_193 = tpu.memref_slice %arg22[%dma_start3A_192] : memref<256xi32, #tpu.memory_space<vmem>> -> memref<128xi32, #tpu.memory_space<vmem>>
      %dma_start3A_194 = arith.constant 0 : i32
      %dma_start3A_195 = arith.constant 0 : i32
      %dma_start3A_196 = tpu.memref_slice %arg3[%dma_start3A_194, %dma_start3A_195] : memref<100000x8xf32, #tpu.memory_space<hbm>> -> memref<100000x8xf32, #tpu.memory_space<hbm>>
      tpu.enqueue_indirect_dma source(%dma_start3A_196 : memref<100000x8xf32, #tpu.memory_space<hbm>>) target(%dma_start3A_191 : memref<128x8xf32, #tpu.memory_space<vmem>>) offsets(%dma_start3A_193 : memref<128xi32, #tpu.memory_space<vmem>>) semaphore(%arg33 : memref<!tpu.dma_semaphore, #tpu.memory_space<semaphore_mem>>)
      %dma_start3A_197 = arith.constant 128 : i32
      %dma_start3A_198 = arith.constant 0 : i32
      %dma_start3A_199 = tpu.memref_slice %arg24[%dma_start3A_197, %dma_start3A_198] : memref<256x8xf32, #tpu.memory_space<vmem>> -> memref<128x8xf32, #tpu.memory_space<vmem>>
      %dma_start3A_200 = arith.constant 128 : i32
      %dma_start3A_201 = tpu.memref_slice %arg22[%dma_start3A_200] : memref<256xi32, #tpu.memory_space<vmem>> -> memref<128xi32, #tpu.memory_space<vmem>>
      %dma_start3A_202 = arith.constant 0 : i32
      %dma_start3A_203 = arith.constant 0 : i32
      %dma_start3A_204 = tpu.memref_slice %arg3[%dma_start3A_202, %dma_start3A_203] : memref<100000x8xf32, #tpu.memory_space<hbm>> -> memref<100000x8xf32, #tpu.memory_space<hbm>>
      tpu.enqueue_indirect_dma source(%dma_start3A_204 : memref<100000x8xf32, #tpu.memory_space<hbm>>) target(%dma_start3A_199 : memref<128x8xf32, #tpu.memory_space<vmem>>) offsets(%dma_start3A_201 : memref<128xi32, #tpu.memory_space<vmem>>) semaphore(%arg33 : memref<!tpu.dma_semaphore, #tpu.memory_space<semaphore_mem>>)
      %dma_wait3A_205 = arith.constant 0 : i32
      %dma_wait3A_206 = arith.constant 0 : i32
      %dma_wait3A_207 = tpu.memref_slice %arg23[%dma_wait3A_205, %dma_wait3A_206] : memref<256x32xf32, #tpu.memory_space<vmem>> -> memref<128x32xf32, #tpu.memory_space<vmem>>
      %dma_wait3A_208 = arith.constant 0 : i32
      %dma_wait3A_209 = tpu.memref_slice %arg22[%dma_wait3A_208] : memref<256xi32, #tpu.memory_space<vmem>> -> memref<128xi32, #tpu.memory_space<vmem>>
      %dma_wait3A_210 = arith.constant 0 : i32
      %dma_wait3A_211 = arith.constant 0 : i32
      %dma_wait3A_212 = tpu.memref_slice %arg4[%dma_wait3A_210, %dma_wait3A_211] : memref<100000x32xf32, #tpu.memory_space<hbm>> -> memref<100000x32xf32, #tpu.memory_space<hbm>>
      tpu.wait_indirect_dma semaphore(%arg33 : memref<!tpu.dma_semaphore, #tpu.memory_space<semaphore_mem>>) src(%dma_wait3A_212 : memref<100000x32xf32, #tpu.memory_space<hbm>>) dst(%dma_wait3A_207 : memref<128x32xf32, #tpu.memory_space<vmem>>)
      %dma_wait3A_213 = arith.constant 128 : i32
      %dma_wait3A_214 = arith.constant 0 : i32
      %dma_wait3A_215 = tpu.memref_slice %arg23[%dma_wait3A_213, %dma_wait3A_214] : memref<256x32xf32, #tpu.memory_space<vmem>> -> memref<128x32xf32, #tpu.memory_space<vmem>>
      %dma_wait3A_216 = arith.constant 128 : i32
      %dma_wait3A_217 = tpu.memref_slice %arg22[%dma_wait3A_216] : memref<256xi32, #tpu.memory_space<vmem>> -> memref<128xi32, #tpu.memory_space<vmem>>
      %dma_wait3A_218 = arith.constant 0 : i32
      %dma_wait3A_219 = arith.constant 0 : i32
      %dma_wait3A_220 = tpu.memref_slice %arg4[%dma_wait3A_218, %dma_wait3A_219] : memref<100000x32xf32, #tpu.memory_space<hbm>> -> memref<100000x32xf32, #tpu.memory_space<hbm>>
      tpu.wait_indirect_dma semaphore(%arg33 : memref<!tpu.dma_semaphore, #tpu.memory_space<semaphore_mem>>) src(%dma_wait3A_220 : memref<100000x32xf32, #tpu.memory_space<hbm>>) dst(%dma_wait3A_215 : memref<128x32xf32, #tpu.memory_space<vmem>>)
      %dma_wait3A_221 = arith.constant 0 : i32
      %dma_wait3A_222 = arith.constant 0 : i32
      %dma_wait3A_223 = tpu.memref_slice %arg24[%dma_wait3A_221, %dma_wait3A_222] : memref<256x8xf32, #tpu.memory_space<vmem>> -> memref<128x8xf32, #tpu.memory_space<vmem>>
      %dma_wait3A_224 = arith.constant 0 : i32
      %dma_wait3A_225 = tpu.memref_slice %arg22[%dma_wait3A_224] : memref<256xi32, #tpu.memory_space<vmem>> -> memref<128xi32, #tpu.memory_space<vmem>>
      %dma_wait3A_226 = arith.constant 0 : i32
      %dma_wait3A_227 = arith.constant 0 : i32
      %dma_wait3A_228 = tpu.memref_slice %arg3[%dma_wait3A_226, %dma_wait3A_227] : memref<100000x8xf32, #tpu.memory_space<hbm>> -> memref<100000x8xf32, #tpu.memory_space<hbm>>
      tpu.wait_indirect_dma semaphore(%arg33 : memref<!tpu.dma_semaphore, #tpu.memory_space<semaphore_mem>>) src(%dma_wait3A_228 : memref<100000x8xf32, #tpu.memory_space<hbm>>) dst(%dma_wait3A_223 : memref<128x8xf32, #tpu.memory_space<vmem>>)
      %dma_wait3A_229 = arith.constant 128 : i32
      %dma_wait3A_230 = arith.constant 0 : i32
      %dma_wait3A_231 = tpu.memref_slice %arg24[%dma_wait3A_229, %dma_wait3A_230] : memref<256x8xf32, #tpu.memory_space<vmem>> -> memref<128x8xf32, #tpu.memory_space<vmem>>
      %dma_wait3A_232 = arith.constant 128 : i32
      %dma_wait3A_233 = tpu.memref_slice %arg22[%dma_wait3A_232] : memref<256xi32, #tpu.memory_space<vmem>> -> memref<128xi32, #tpu.memory_space<vmem>>
      %dma_wait3A_234 = arith.constant 0 : i32
      %dma_wait3A_235 = arith.constant 0 : i32
      %dma_wait3A_236 = tpu.memref_slice %arg3[%dma_wait3A_234, %dma_wait3A_235] : memref<100000x8xf32, #tpu.memory_space<hbm>> -> memref<100000x8xf32, #tpu.memory_space<hbm>>
      tpu.wait_indirect_dma semaphore(%arg33 : memref<!tpu.dma_semaphore, #tpu.memory_space<semaphore_mem>>) src(%dma_wait3A_236 : memref<100000x8xf32, #tpu.memory_space<hbm>>) dst(%dma_wait3A_231 : memref<128x8xf32, #tpu.memory_space<vmem>>)
      %scan3A_237 = arith.constant 0 : i32
      %scan3A_238 = arith.constant 0 : i32
      %scan3A_239 = arith.constant 16 : i32
      %scan3A_240 = arith.addi %scan3A_238, %scan3A_239 : i32
      %scan3A_241 = arith.constant 1 : i32
      scf.for %scan3A_252 = %scan3A_238 to %scan3A_240 step %scan3A_241  : i32 {
      }
      %scan3A_242 = arith.constant 16 : i32
      %mul3A_243 = arith.constant 256 : i32
      %mul3A_244 = arith.muli %mul3A_243, %add3A : i32
      %mul3A_245 = arith.constant 16 : i32
      %mul3A_246 = arith.muli %mul3A_245, %scan3A_12 : i32
      %add3A_247 = arith.addi %mul3A_244, %mul3A_246 : i32
      %mul3A_248 = arith.constant 512 : i32
      %mul3A_249 = arith.muli %mul3A_248, %add3A_247 : i32
      "tpu.region"() ({
        %run_scoped3A = tpu.sem_alloc : memref<!tpu.dma_semaphore, #tpu.memory_space<semaphore_mem>>
        %dma_start3A_252 = tpu.memref_slice %arg8[%mul3A_249] : memref<4194304xf32, #tpu.memory_space<hbm>> -> memref<8192xf32, #tpu.memory_space<hbm>>
        %dma_start3A_253 = tpu.memref_slice %arg8[%mul3A_249] : memref<4194304xf32, #tpu.memory_space<hbm>> -> memref<8192xf32, #tpu.memory_space<hbm>>
        tpu.enqueue_dma source(%arg25 : memref<8192xf32, #tpu.memory_space<vmem>>) target(%dma_start3A_253 : memref<8192xf32, #tpu.memory_space<hbm>>) target_semaphore(%run_scoped3A : memref<!tpu.dma_semaphore, #tpu.memory_space<semaphore_mem>>)
        %dma_wait3A_254 = tpu.memref_slice %arg8[%mul3A_249] : memref<4194304xf32, #tpu.memory_space<hbm>> -> memref<8192xf32, #tpu.memory_space<hbm>>
        %dma_wait3A_255 = tpu.memref_slice %arg8[%mul3A_249] : memref<4194304xf32, #tpu.memory_space<hbm>> -> memref<8192xf32, #tpu.memory_space<hbm>>
        tpu.wait_dma2 semaphore(%run_scoped3A : memref<!tpu.dma_semaphore, #tpu.memory_space<semaphore_mem>>) src(%arg25 : memref<8192xf32, #tpu.memory_space<vmem>>) dst(%dma_wait3A_255 : memref<8192xf32, #tpu.memory_space<hbm>>)
        tpu.yield
      }) : () -> ()
      %mul3A_250 = arith.constant 48 : i32
      %mul3A_251 = arith.muli %mul3A_250, %add3A_247 : i32
      "tpu.region"() ({
        %run_scoped3A = tpu.sem_alloc : memref<!tpu.dma_semaphore, #tpu.memory_space<semaphore_mem>>
        %dma_start3A_252 = tpu.memref_slice %arg9[%mul3A_251] : memref<393216xf32, #tpu.memory_space<hbm>> -> memref<768xf32, #tpu.memory_space<hbm>>
        %dma_start3A_253 = tpu.memref_slice %arg9[%mul3A_251] : memref<393216xf32, #tpu.memory_space<hbm>> -> memref<768xf32, #tpu.memory_space<hbm>>
        tpu.enqueue_dma source(%arg26 : memref<768xf32, #tpu.memory_space<vmem>>) target(%dma_start3A_253 : memref<768xf32, #tpu.memory_space<hbm>>) target_semaphore(%run_scoped3A : memref<!tpu.dma_semaphore, #tpu.memory_space<semaphore_mem>>)
        %dma_wait3A_254 = tpu.memref_slice %arg9[%mul3A_251] : memref<393216xf32, #tpu.memory_space<hbm>> -> memref<768xf32, #tpu.memory_space<hbm>>
        %dma_wait3A_255 = tpu.memref_slice %arg9[%mul3A_251] : memref<393216xf32, #tpu.memory_space<hbm>> -> memref<768xf32, #tpu.memory_space<hbm>>
        tpu.wait_dma2 semaphore(%run_scoped3A : memref<!tpu.dma_semaphore, #tpu.memory_space<semaphore_mem>>) src(%arg26 : memref<768xf32, #tpu.memory_space<vmem>>) dst(%dma_wait3A_255 : memref<768xf32, #tpu.memory_space<hbm>>)
        tpu.yield
      }) : () -> ()
    }
    %scan3A_9 = arith.constant 16 : i32
    %mul3A_10 = arith.constant 256 : i32
    %mul3A_11 = arith.muli %mul3A_10, %add3A : i32
    "tpu.region"() ({
      %run_scoped3A = tpu.sem_alloc : memref<!tpu.dma_semaphore, #tpu.memory_space<semaphore_mem>>
      %dma_start3A = tpu.memref_slice %arg10[%mul3A_11] : memref<8192xi32, #tpu.memory_space<hbm>> -> memref<256xi32, #tpu.memory_space<hbm>>
      %dma_start3A_12 = tpu.memref_slice %arg10[%mul3A_11] : memref<8192xi32, #tpu.memory_space<hbm>> -> memref<256xi32, #tpu.memory_space<hbm>>
      tpu.enqueue_dma source(%arg27 : memref<256xi32, #tpu.memory_space<vmem>>) target(%dma_start3A_12 : memref<256xi32, #tpu.memory_space<hbm>>) target_semaphore(%run_scoped3A : memref<!tpu.dma_semaphore, #tpu.memory_space<semaphore_mem>>)
      %dma_wait3A = tpu.memref_slice %arg10[%mul3A_11] : memref<8192xi32, #tpu.memory_space<hbm>> -> memref<256xi32, #tpu.memory_space<hbm>>
      %dma_wait3A_13 = tpu.memref_slice %arg10[%mul3A_11] : memref<8192xi32, #tpu.memory_space<hbm>> -> memref<256xi32, #tpu.memory_space<hbm>>
      tpu.wait_dma2 semaphore(%run_scoped3A : memref<!tpu.dma_semaphore, #tpu.memory_space<semaphore_mem>>) src(%arg27 : memref<256xi32, #tpu.memory_space<vmem>>) dst(%dma_wait3A_13 : memref<256xi32, #tpu.memory_space<hbm>>)
      tpu.yield
    }) : () -> ()
    return
  }
}

</mosaic_0001>

<sc_bundles>
// kernel: kernel.3.cloned.1.call-start
scs
__scs_entry_jumppad:
0x0: {  	(pc) =	sbr.rel $0x88, $3  }
0x1: {  	(tag) =	ssettag $0x0;
	lr =	simm.s32 $0x1  }
0x2: {  	[smem:$0x3F9B] =	sst lr;
	_ =	strace $0xD0000000  }
0x3: {  	_ = 	snop  }
0x4: {  	_ = 	snop  }
0x5: {  	_ = 	snop  }
0x6: {  	_ = 	snop  }
0x7: {  	_ = 	snop  }
__scs_overlays_trampoline_lowered:
0x8: {  	[smem:$0x3FAA] =	sst s0  }
0x9: {  	[smem:$0x3FAB] =	sst s1  }
0xa: {  	[smem:$0x3FAC] =	sst s2  }
0xb: {  	[smem:$0x3FAD] =	sst s3  }
0xc: {  	[smem:$0x3FAE] =	sst s4  }
0xd: {  	[smem:$0x3FAF] =	sst s5  }
0xe: {  	[smem:$0x3FB0] =	sst s6  }
0xf: {  	[smem:$0x3FB1] =	sst s7  }
0x10: {  	[smem:$0x3FB2] =	sst s8  }
0x11: {  	[smem:$0x3FB3] =	sst s9;
	s0 =	simm.s32 @!p0 $0x0  }
0x12: {  	s1 =	sld [smem:$0x3F99];
	s0 =	simm.s32 @p0 $0x1  }
0x13: {  	[smem:$0x3FB4] =	sst s0;
	s0 =	simm.s32 @!p1 $0x0  }
0x14: {  	s2 =	sld [smem:$0x3F98];
	s0 =	simm.s32 @p1 $0x1  }
0x15: {  	[smem:$0x3FB5] =	sst s0;
	s0 =	simm.s32 @!p2 $0x0  }
0x16: {  	s3 =	sld [smem:$0x3FDB];
	s0 =	simm.s32 @p2 $0x1  }
0x17: {  	s4 =	simm.s32 $0x1BF5;
	[smem:$0x3FB7] =	sst s0  }
0x18: {  	s0 =	sld [smem:$0x3F9A];
	_ =	swait.ge [sflag:s4], $0x0  }
0x19: {  	s7 =	sld [smem:$0x3F9B]  }
0x1a: {  	s8 =	sadd.s32 $0xFFFFE003, lr  }
0x1b: {  	s9 =	sadd.s32 $0xFFFFFEF7, lr;
	s5 =	simm.s32 $0xFFFFFFFF;
	p2 =	slt.u32 s8, $0xFFFFF086  }
0x1c: {  	p1 =	slt.u32 s9, $0xF7A;
	s5 =	simm.s32 @!p2 $0x0  }
0x1d: {  	s5 =	simm.s32 @p1 $0x1;
	p0 =	seq.s32 s7, s2  }
0x1e: {  	s7 =	smul.u32 @!p0 $0xF7A, s2;
	p2 =	seq.s32 @!p0 s5, $0x0  }
0x1f: {  	s9 =	smul.u32 $0xF7A, s1;
	s8 =	simm.s32 @!p0 $0x1BF5;
	p2 =	por !p2, p0  }
0x20: {  	[sflag:s8] =	ssyncset.s32 @!p0 $0xFFFFF086;
	s6 =	sadd.s32 @!p0 s3, s7;
	s7 =	simm.s32 @!p0 $0x108  }
0x21: {  	s3 =	sadd.s32 s3, s9;
	s6 =	sadd.s32 @!p0 $0x88, s6;
	s7 =	simm.s32 @p2 $0x1082  }
0x22: {  	[simem:s7], [sflag:s8] =	dma.local @!p0 [hbm:s6], $0xF7A  }
0x23: {  	s9 =	sor.u32 $0xD0000000, s2;
	s6 =	simm.s32 $0x108;
	_ =	swait.ge @!p0 [sflag:s8], $0x0  }
0x24: {  	s3 =	sadd.s32 $0x88, s3;
	s6 =	simm.s32 @!p1 $0x1082;
	[sflag:s4] =	ssyncset.s32 $0xFFFFF086  }
0x25: {  	[simem:s6], [sflag:s4] =	dma.local [hbm:s3], $0xF7A  }
0x26: {  	[smem:$0x3F9B] =	sst s1;
	(tag) =	ssettag s2;
	_ =	strace s9  }
0x27: {  	s1 =	sld [smem:$0x3FAB]  }
0x28: {  	s2 =	sld [smem:$0x3FAC]  }
0x29: {  	s4 =	sld [smem:$0x3FAE]  }
0x2a: {  	p0 =	seq.s32 s5, $0x0;
	s5 =	sld [smem:$0x3FAF]  }
0x2b: {  	s6 =	sld [smem:$0x3FB0]  }
0x2c: {  	s7 =	sld [smem:$0x3FB1]  }
0x2d: {  	s3 =	simm.s32 $0x108;
	s8 =	sld [smem:$0x3FB2]  }
0x2e: {  	s3 =	simm.s32 @!p0 $0x1082;
	s9 =	sld [smem:$0x3FB3]  }
0x2f: {  	lr =	sadd.s32 s0, s3;
	s0 =	sld [smem:$0x3FAA]  }
0x30: {  	s3 =	sld [smem:$0x3FAD]  }
0x31: {  	[smem:$0x3FB6] =	sst s10  }
0x32: {  	s10 =	sld [smem:$0x3FB4];
	_ =	sdelay $0x3  }
0x33: {  	p0 =	seq.s32 s10, $0x1;
	s10 =	sld [smem:$0x3FB6];
	_ =	sdelay $0x3  }
0x34: {  	[smem:$0x3FB6] =	sst s10  }
0x35: {  	s10 =	sld [smem:$0x3FB5];
	_ =	sdelay $0x3  }
0x36: {  	p1 =	seq.s32 s10, $0x1;
	s10 =	sld [smem:$0x3FB6];
	_ =	sdelay $0x3  }
0x37: {  	[smem:$0x3FB6] =	sst s10  }
0x38: {  	s10 =	sld [smem:$0x3FB7]  }
0x39: {  	_ = 	snop;
	(pc) =	sbr.ind lr, $3  }
0x3a: {  	_ = 	snop  }
0x3b: {  	_ = 	snop  }
0x3c: {  	p2 =	seq.s32 s10, $0x1;
	s10 =	sld [smem:$0x3FB6]  }
0x3d: {  	_ =	shalt  }
0x3e: {  	_ =	shalt  }
0x3f: {  	_ =	shalt  }
0x40: {  	_ =	shalt  }
0x41: {  	_ =	shalt  }
0x42: {  	_ =	shalt  }
0x43: {  	_ =	shalt  }
0x44: {  	_ =	shalt  }
0x45: {  	_ =	shalt  }
0x46: {  	_ =	shalt  }
0x47: {  	_ =	shalt  }
0x48: {  	_ =	shalt  }
0x49: {  	_ =	shalt  }
0x4a: {  	_ =	shalt  }
0x4b: {  	_ =	shalt  }
0x4c: {  	_ =	shalt  }
0x4d: {  	_ =	shalt  }
0x4e: {  	_ =	shalt  }
0x4f: {  	_ =	shalt  }
0x50: {  	_ =	shalt  }
0x51: {  	_ =	shalt  }
0x52: {  	_ =	shalt  }
0x53: {  	_ =	shalt  }
0x54: {  	_ =	shalt  }
0x55: {  	_ =	shalt  }
0x56: {  	_ =	shalt  }
0x57: {  	_ =	shalt  }
0x58: {  	_ =	shalt  }
0x59: {  	_ =	shalt  }
0x5a: {  	_ =	shalt  }
0x5b: {  	_ =	shalt  }
0x5c: {  	_ =	shalt  }
0x5d: {  	_ =	shalt  }
0x5e: {  	_ =	shalt  }
0x5f: {  	_ =	shalt  }
0x60: {  	_ =	shalt  }
0x61: {  	_ =	shalt  }
0x62: {  	_ =	shalt  }
0x63: {  	_ =	shalt  }
0x64: {  	_ =	shalt  }
0x65: {  	_ =	shalt  }
0x66: {  	_ =	shalt  }
0x67: {  	_ =	shalt  }
0x68: {  	_ =	shalt  }
0x69: {  	_ =	shalt  }
0x6a: {  	_ =	shalt  }
0x6b: {  	_ =	shalt  }
0x6c: {  	_ =	shalt  }
0x6d: {  	_ =	shalt  }
0x6e: {  	_ =	shalt  }
0x6f: {  	_ =	shalt  }
0x70: {  	_ =	shalt  }
0x71: {  	_ =	shalt  }
0x72: {  	_ =	shalt  }
0x73: {  	_ =	shalt  }
0x74: {  	_ =	shalt  }
0x75: {  	_ =	shalt  }
0x76: {  	_ =	shalt  }
0x77: {  	_ =	shalt  }
0x78: {  	_ =	shalt  }
0x79: {  	_ =	shalt  }
0x7a: {  	_ =	shalt  }
0x7b: {  	_ =	shalt  }
0x7c: {  	_ =	shalt  }
0x7d: {  	_ =	shalt  }
0x7e: {  	_ =	shalt  }
0x7f: {  	_ =	shalt  }
0x80: {  	_ =	shalt  }
0x81: {  	_ =	shalt  }
0x82: {  	_ =	shalt  }
0x83: {  	_ =	shalt  }
0x84: {  	_ =	shalt  }
0x85: {  	_ =	shalt  }
0x86: {  	_ =	shalt  }
0x87: {  	_ =	shalt  }
.Lfunc_end0:
.L_simem_size_0:
called_computation_lowered:
.L_overlay_start_0:
0x88: {  	s2 =	sld [smem:$0x3FD9]  }
0x89: {  	s3 =	sld [smem:$0x3FFE];
	_ =	sdelay $0x1  }
0x8a: {  	s1 =	srdreg.scid  }
0x8b: {  	s0 =	sand.u32 $0x1, s1  }
0x8c: {  	s14 =	sshll.u32 s0, $0xA;
	s2 =	sadd.s32 s3, s2  }
0x8d: {  	s2 =	sadd.s32 s2, s14  }
0x8e: {  	[smem:$0x3FC2] =	sst s2  }
0x8f: {  	_ = 	snop  }
0x90: {  	s2 =	sld [smem:$0x3FD0];
	_ =	sdelay $0x2  }
0x91: {  	s15 =	simm.s32 $0xA;
	s4 =	simm.s32 $0x10  }
0x92: {  	[smem:s4], [sflag:s15] =	dma.local [hbm:s2], $0x1  }
0x93: {  	_ =	swait.eq [sflag:s15], $0x1  }
0x94: {  	s16 =	sld [smem:$0x10];
	[sflag:s15] =	ssyncset.done $0x0  }
0x95: {  	s17 =	sld [smem:$0x11];
	[sflag:s15] =	ssyncadd.s32 $0xFFFFFFFF  }
0x96: {  	s18 =	sld [smem:$0x12];
	(tm) =	ssettm $0x1  }
0x97: {  	s5 =	sld [smem:$0x3FFB];
	_ =	sdelay $0x3  }
0x98: {  	_ =	strace s5  }
0x99: {  	s5 =	sld [smem:$0x3FFC];
	_ =	sdelay $0x3  }
0x9a: {  	_ =	strace s5  }
0x9b: {  	s5 =	sld [smem:$0x3FFD];
	_ =	sdelay $0x3  }
0x9c: {  	_ =	strace s5  }
0x9d: {  	_ =	strace $0x8FFFFFFF  }
0x9e: {  	s19 =	sld [smem:$0x3FDB];
	_ =	sdelay $0x1  }
0x9f: {  	s6 =	simm.s32 $_scs_section_size  }
0xa0: {  	s7 =	simm.s32 $_size__tile_overlayer_lowered;
	s8 =	simm.s32 $_tile_overlayer_lowered  }
0xa1: {  	s22 =	simm.s32 $0x1BFF;
	s21 =	sshll.u32 s8, $0x1;
	s5 =	sadd.s32 s6, s19  }
0xa2: {  	s9 =	simm.s32 $0x0;
	s20 =	sshll.u32 s7, $0x1;
	s7 =	sadd.s32 s21, s5  }
0xa3: {  	[timem:s9], [sflag:s22] =	dma.local [hbm:s7], s20  }
0xa4: {  	_ =	swait.ge [sflag:s22], s20  }
0xa5: {  	s6 =	ssub.s32 $0x0, s20;
	[sflag:s22] =	ssyncset.done $0x0  }
0xa6: {  	[sflag:s22] =	ssyncadd.s32 s6;
	_ =	sdelay $0x1  }
0xa7: {  	s23 =	simm.s32 $0x1B8B  }
0xa8: {  	_ =	swait.ge [sflag:s23], $0x1  }
0xa9: {  	[sflag:s23] =	ssyncset.done $0x0  }
0xaa: {  	s25 =	simm.s32 $0x1B8E;
	s24 =	sld [smem:$0x3FFE];
	[sflag:s23] =	ssyncadd.s32 $0xFFFFFFFF  }
0xab: {  	s26 =	simm.s32 $execute0_lowered;
	[smem:$0x3FD2] =	sst s25  }
0xac: {  	s7 =	sshll.u32 s26, $0x1;
	_ =	strace $0x80000046;
	[dreg:$0x1] =	wrdreg $0xFFFFFFFF  }
0xad: {  	s28 =	simm.s32 $_size_execute0_lowered;
	s5 =	sadd.s32 s5, s7;
	[dreg:$0x0] =	wrdreg $0x0  }
0xae: {  	s7 =	sshll.u32 s28, $0x1;
	[dreg:$0x2] =	wrdreg s5  }
0xaf: {  	[dreg:$0x3] =	wrdreg s7  }
0xb0: {  	[dreg:$0x4] =	wrdreg $0xC0  }
0xb1: {  	_ =	task [dreg:s9], $0x5FFFF  }
0xb2: {  	[dreg:$0x1] =	wrdreg $0xFFFFFFFF  }
0xb3: {  	[dreg:$0x0] =	wrdreg $0x60  }
0xb4: {  	[dreg:$0x2] =	wrdreg s24  }
0xb5: {  	[dreg:$0x3] =	wrdreg s18  }
0xb6: {  	[dreg:$0x4] =	wrdreg s16  }
0xb7: {  	[dreg:$0x5] =	wrdreg s17  }
0xb8: {  	[dreg:$0x6] =	wrdreg $0x9  }
0xb9: {  	_ =	task.clear_ibuf [dreg:s9], $0x7FFFF;
	_ =	strace $0x90000046  }
0xba: {  	s29 =	simm.s32 $0x9;
	_ =	strace $0x80000048  }
0xbb: {  	_ =	swait.ge [sflag:s29], $0x1  }
0xbc: {  	[sflag:s29] =	ssyncadd.s32 $0xFFFFFFFF  }
0xbd: {  	_ =	strace $0x90000048  }
0xbe: {  	_ =	sfence  }
0xbf: {  	s30 =	sld [smem:$0x0];
	_ =	sdelay $0x2  }
0xc0: {  	s31 =	sshll.u32 s1, $0xD;
	s1 =	sshrl.u32 s1, $0x2  }
0xc1: {  	s3 =	sand.u32 $0x4000, s31;
	s1 =	sadd.s32 s1, s30  }
0xc2: {  	s0 =	sor.u32 s3, s0;
	s1 =	sshll.u32 s1, $0x11  }
0xc3: {  	s0 =	sor.u32 s1, s0  }
0xc4: {  	s0 =	sadd.s32 $0x8F2B, s0  }
0xc5: {  	[sflag:s0] =	ssyncadd.remote.s32 $0x1  }
0xc6: {  	_ =	sfence.sel $0xFFFF  }
0xc7: {  	[dreg:$0x0] =	wrdreg $0xFFFFFFFF;
	(pc) =	sbr.abs _section_cstart, $3  }
0xc8: {  	[dreg:$0x1] =	wrdreg $0xFFFFFFFF  }
0xc9: {  	_ =	task.clear_ibuf [dreg:s9], $0x2FFFF;
	_ =	strace $0x9FFFFFFF  }
0xca: {  	(tm) =	ssettm $0x7FFFFFFF  }
0xcb: {  	_ =	shalt  }
tec
execute0_lowered:
.L_overlay_start_1:
0x0: {  	(tag) =	ssettag $0x1  }
0x1: {  	s0 =	rddreg [dreg:$0x0];
	s5 =	simm.s32 $0x0;
	s1 =	srdreg.scid  }
0x2: {  	s2 =	stileid.u32;
	s14 =	simm.s32 $0x4;
	s17 =	simm.s32 $0x810  }
0x3: {  	s18 =	simm.s32 $0x80;
	s15 =	simm.s32 $0x2790;
	s16 =	simm.s32 $0x7D10  }
0x4: {  	s10 =	simm.s32 $0x2;
	s12 =	simm.s32 $0x7B90;
	s13 =	simm.s32 $0x2F90  }
0x5: {  	s19 =	simm.s32 $0x4090;
	s20 =	simm.s32 $0x5090;
	s21 =	simm.s32 $0x5490  }
0x6: {  	s22 =	simm.s32 $0x3;
	s23 =	simm.s32 $0x5890;
	s24 =	simm.s32 $0x7890  }
0x7: {  	s25 =	simm.s32 $0x0;
	[smem:$0x7FF] =	sst s5;
	s1 =	sand.u32 $0x1, s1  }
0x8: {  	s2 =	sshll.u32 s2, $0x1;
	s6 =	sadd.s32 $0x3800, s0;
	s7 =	sadd.s32 $0x5BA00, s0  }
0x9: {  	s8 =	sadd.s32 $0x1FAC00, s0;
	_ =	strace $0x80000047;
	s2 =	sor.u32 s1, s2  }
0xa: {  	s1 =	ssub.s32 $0x2, s1;
	s3 =	sshll.u32 s2, $0x7;
	s4 =	sshll.u32 s2, $0x5  }
0xb: {  	s9 =	sshrl.u32 s1, $0x1;
	s11 =	sshll.u32 s2, $0x8;
	s3 =	sadd.s32 s3, s0  }
0xc: {  	s2 =	simm.s32 $0x3090;
	s0 =	sadd.s32 s4, s0;
	s30 =	sadd.s32 $0x1800, s3  }
0xd: {  	s1 =	ssub.s32 s1, s9;
	s3 =	sadd.s32 $0x2800, s3;
	[dreg:$0x5] =	wrdreg s30  }
0xe: {  	s4 =	simm.s32 $0x1;
	s0 =	sadd.s32 $0x74200, s0;
	[dreg:$0x6] =	wrdreg s3  }
0xf: {  	v0 =	vlaneseq.u32;
	s9 =	simm.s32 $0x2B90;
	s31 =	smax.u32 s1, $0x1;
	[dreg:$0x7] =	wrdreg s0  }
0x10: {  	v2 =	vimm.s32 $0x0;
	v1 =	vand.u32 $0x7, v0;
	s1 =	simm.s32 $0x7C90;
	[dreg:$0x8] =	wrdreg s31;
	s3 =	simm.s32 $0x3010  }
.LBB2_1:
0x11: {  	[dreg:$0x9] =	wrdreg s25  }
0x12: {  	s0 =	rddreg [dreg:$0x5]  }
0x13: {  	[tilespmem:s5], [sflag:$0x4] =	stream.linear.gather [hbm4b:s0+s5], $0x400, $0x38;
	[tilespmem:$0x7D90] =	vst v63  }
0x14: {  	_ =	swait.ge [sflag:s14], $0x400  }
0x15: {  	[sflag:s14] =	ssyncset.done $0x0  }
0x16: {  	s29 =	simm.s32 $0x400;
	s28 =	rddreg [dreg:$0x6];
	[sflag:s14] =	ssyncadd.s32 $0xFFFFFC00  }
0x17: {  	[tilespmem:s29], [sflag:$0x4] =	stream.linear.gather [hbm4b:s28+s5], $0x400, $0x38;
	[tilespmem:$0x7D90] =	vst v63  }
0x18: {  	_ =	swait.ge [sflag:s14], $0x400  }
0x19: {  	[sflag:s14] =	ssyncset.done $0x0  }
0x1a: {  	[sflag:s14] =	ssyncadd.s32 $0xFFFFFC00  }
0x1b: {  	s31 =	simm.s32 $0x800;
	s30 =	rddreg [dreg:$0x1]  }
0x1c: {  	[tilespmem:s31], [sflag:$0x4] =	stream.linear.gather [hbm4b:s30+s5], $0x10, $0x38;
	[tilespmem:$0x7D90] =	vst v63  }
0x1d: {  	_ =	swait.ge [sflag:s14], $0x10  }
0x1e: {  	[sflag:s14] =	ssyncset.done $0x0  }
0x1f: {  	s25 =	simm.s32 $0x0;
	s26 =	simm.s32 $0x0;
	[sflag:s14] =	ssyncadd.s32 $0xFFFFFFF0  }
.LBB2_2:
0x20: {  	s28 =	simm.s32 $0x0  }
0x21: {  	v6 =	vadd.s32 s28, v0  }
0x22: {  	s28 =	simm.s32 $0x10;
	v3 =	vand.u32 $0x7F8, v6  }
0x23: {  	v12 =	vadd.s32 s28, v0;
	v8 =	vor.u32 v1, v3  }
0x24: {  	s28 =	simm.s32 $0x20;
	v3 =	vand.u32 $0xFF8, v12  }
0x25: {  	s29 =	simm.s32 $0x28;
	v13 =	vor.u32 v1, v3;
	v3 =	vadd.s32 s28, v0  }
0x26: {  	v4 =	vadd.s32 s29, v0;
	s28 =	simm.s32 $0x38;
	v7 =	vand.u32 $0xFF8, v3  }
0x27: {  	v9 =	vand.u32 $0xFF8, v4;
	v5 =	vadd.s32 s28, v0;
	v7 =	vor.u32 v1, v7  }
0x28: {  	v10 =	vand.u32 $0x7F8, v5;
	[tilespmem:v8+s17+$0x0] =	vst.idx.msk $0xffff, v6;
	v8 =	vor.u32 v1, v9  }
0x29: {  	s28 =	simm.s32 $0x48;
	v9 =	vor.u32 v1, v10  }
0x2a: {  	s29 =	simm.s32 $0x58;
	v6 =	vadd.s32 s28, v0  }
0x2b: {  	s28 =	simm.s32 $0x60;
	v10 =	vadd.s32 s29, v0;
	s29 =	simm.s32 $0x98;
	v11 =	vand.u32 $0xFF8, v6;
	[tilespmem:v13+s17+$0x0] =	vst.idx.msk $0xffff, v12  }
.LBB2_3:
0x2c: {  	s30 =	sadd.s32 $0xFFFFFFD8, s29;
	v12 =	vor.u32 v1, v11;
	v11 =	vand.u32 $0xFF8, v10;
	v13 =	vadd.s32 s28, v0;
	[tilespmem:v7+s17+$0x0] =	vst.idx.msk $0xffff, v3;
	v3 =	vmovc v10;
	s28 =	smov.u32 s29;
	p0 =	sne.s32 s29, $0x370  }
.Ltmp0:
0x2d: {  	v10 =	vadd.s32 s30, v0;
	v7 =	vor.u32 v1, v11;
	v11 =	vand.u32 $0xFF8, v13;
	[tilespmem:v8+s17+$0x0] =	vst.idx.msk $0xffff, v4;
	v4 =	vmovc v13;
	(pc) =	sbr.rel @p0 .LBB2_3-.Ltmp0, $4  }
0x2e: {  	v13 =	vand.u32 $0x7F8, v10;
	[tilespmem:v9+s17+$0x0] =	vst.idx.msk $0xffff, v5;
	v8 =	vor.u32 v1, v11;
	v5 =	vmov v10  }
0x2f: {  	s30 =	sadd.s32 $0xFFFFFFE8, s29;
	v9 =	vor.u32 v1, v13  }
0x30: {  	v13 =	vadd.s32 s30, v0;
	s30 =	sadd.s32 $0xFFFFFFF8, s29  }
0x31: {  	s29 =	sadd.s32 $0x38, s29;
	v11 =	vand.u32 $0xFF8, v13;
	v10 =	vadd.s32 s30, v0;
	[tilespmem:v12+s17+$0x0] =	vst.idx.msk $0xffff, v6;
	v6 =	vmov v13  }
0x32: {  	_ =	sdelay $0x1  }
0x33: {  	v11 =	vor.u32 v1, v11;
	v12 =	vand.u32 $0xFF8, v10;
	v13 =	vadd.s32 s28, v0  }
0x34: {  	v12 =	vor.u32 v1, v12;
	v14 =	vand.u32 $0xFF8, v13  }
0x35: {  	[tilespmem:v7+s17+$0x0] =	vst.idx.msk $0xffff, v3;
	v3 =	vor.u32 v1, v14  }
0x36: {  	[tilespmem:v8+s17+$0x0] =	vst.idx.msk $0xffff, v4  }
0x37: {  	[tilespmem:v9+s17+$0x0] =	vst.idx.msk $0xffff, v5  }
0x38: {  	[tilespmem:v11+s17+$0x0] =	vst.idx.msk $0xffff, v6  }
0x39: {  	[tilespmem:v12+s17+$0x0] =	vst.idx.msk $0xffff, v10  }
0x3a: {  	s0 =	simm.s32 $0xB90;
	[tilespmem:v3+s17+$0x0] =	vst.idx.msk $0xffff, v13  }
0x3b: {  	[tilespmem:s0], [sflag:$0x1] =	stream.indirect.gather [hbm4b:s6+s18], $0x8, s17, s18, $0xb8;
	[tilespmem:$0x7D90] =	vst v63  }
0x3c: {  	s30 =	simm.s32 $0x890;
	s28 =	simm.s32 $0xF90  }
0x3d: {  	[tilespmem:s28], [sflag:$0x1] =	stream.indirect.gather [hbm4b:s6+s18], $0x8, s30, s18, $0xb8;
	[tilespmem:$0x7D90] =	vst v63  }
0x3e: {  	s31 =	simm.s32 $0x910;
	s28 =	simm.s32 $0x1390  }
0x3f: {  	[tilespmem:s28], [sflag:$0x1] =	stream.indirect.gather [hbm4b:s6+s18], $0x8, s31, s18, $0xb8;
	[tilespmem:$0x7D90] =	vst v63  }
0x40: {  	s30 =	simm.s32 $0x990;
	s28 =	simm.s32 $0x1790  }
0x41: {  	[tilespmem:s28], [sflag:$0x1] =	stream.indirect.gather [hbm4b:s6+s18], $0x8, s30, s18, $0xb8;
	[tilespmem:$0x7D90] =	vst v63  }
0x42: {  	s31 =	simm.s32 $0xA10;
	s28 =	simm.s32 $0x1B90  }
0x43: {  	[tilespmem:s28], [sflag:$0x1] =	stream.indirect.gather [hbm4b:s6+s18], $0x8, s31, s18, $0xb8;
	[tilespmem:$0x7D90] =	vst v63  }
0x44: {  	s30 =	simm.s32 $0xA90;
	s28 =	simm.s32 $0x1F90  }
0x45: {  	[tilespmem:s28], [sflag:$0x1] =	stream.indirect.gather [hbm4b:s6+s18], $0x8, s30, s18, $0xb8;
	[tilespmem:$0x7D90] =	vst v63  }
0x46: {  	s31 =	simm.s32 $0xB10;
	s28 =	simm.s32 $0x2390  }
0x47: {  	[tilespmem:s28], [sflag:$0x1] =	stream.indirect.gather [hbm4b:s6+s18], $0x8, s31, s18, $0xb8;
	[tilespmem:$0x7D90] =	vst v63  }
0x48: {  	_ =	swait.ge [sflag:s4], $0x400  }
0x49: {  	[sflag:s4] =	ssyncset.done $0x0  }
0x4a: {  	[sflag:s4] =	ssyncadd.s32 $0xFFFFFC00  }
0x4b: {  	_ =	swait.ge [sflag:s4], $0x400  }
0x4c: {  	[sflag:s4] =	ssyncset.done $0x0  }
0x4d: {  	[sflag:s4] =	ssyncadd.s32 $0xFFFFFC00  }
0x4e: {  	_ =	swait.ge [sflag:s4], $0x400  }
0x4f: {  	[sflag:s4] =	ssyncset.done $0x0  }
0x50: {  	[sflag:s4] =	ssyncadd.s32 $0xFFFFFC00  }
0x51: {  	_ =	swait.ge [sflag:s4], $0x400  }
0x52: {  	[sflag:s4] =	ssyncset.done $0x0  }
0x53: {  	[sflag:s4] =	ssyncadd.s32 $0xFFFFFC00  }
0x54: {  	_ =	swait.ge [sflag:s4], $0x400  }
0x55: {  	[sflag:s4] =	ssyncset.done $0x0  }
0x56: {  	[sflag:s4] =	ssyncadd.s32 $0xFFFFFC00  }
0x57: {  	_ =	swait.ge [sflag:s4], $0x400  }
0x58: {  	[sflag:s4] =	ssyncset.done $0x0  }
0x59: {  	[sflag:s4] =	ssyncadd.s32 $0xFFFFFC00  }
0x5a: {  	_ =	swait.ge [sflag:s4], $0x400  }
0x5b: {  	s29 =	simm.s32 $0x0;
	[sflag:s4] =	ssyncset.done $0x0  }
0x5c: {  	v3 =	vor.u32 s29, v0;
	s28 =	simm.s32 $0x7C90;
	[sflag:s4] =	ssyncadd.s32 $0xFFFFFC00  }
0x5d: {  	s29 =	simm.s32 $0x10;
	[tilespmem:s28+$0x0] =	vst v3  }
.LBB2_5:
0x5e: {  	p0 =	sne.s32 s29, $0xF0  }
.Ltmp1:
0x5f: {  	_ = 	snop;
	(pc) =	sbr.rel @p0 .LBB2_5-.Ltmp1, $3  }
0x60: {  	_ =	sdelay $0x1  }
0x61: {  	v3 =	vor.u32 s29, v0;
	s29 =	sadd.s32 $0x10, s29;
	s28 =	sadd.s32 $0x10, s28  }
0x62: {  	[tilespmem:s28+$0x0] =	vst v3  }
0x63: {  	[tilespmem:s15], [sflag:$0x2] =	stream.indirect.gather [hbm4b:s7+s18], $0x8, s1, s18, $0xb8;
	[tilespmem:$0x7D90] =	vst v63  }
0x64: {  	_ = 	snop  }
0x65: {  	[tilespmem:s9], [sflag:$0x2] =	stream.indirect.gather [hbm4b:s7+s18], $0x8, s16, s18, $0xb8;
	[tilespmem:$0x7D90] =	vst v63  }
0x66: {  	_ =	swait.ge [sflag:s10], $0x400  }
0x67: {  	[sflag:s10] =	ssyncset.done $0x0  }
0x68: {  	v3 =	vmov s25;
	[sflag:s10] =	ssyncadd.s32 $0xFFFFFC00  }
0x69: {  	_ =	swait.ge [sflag:s10], $0x400  }
0x6a: {  	s28 =	simm.s32 $0x0;
	[sflag:s10] =	ssyncset.done $0x0  }
0x6b: {  	s29 =	simm.s32 $0x2F90;
	v4 =	vor.u32 s28, v0;
	[sflag:s10] =	ssyncadd.s32 $0xFFFFFC00  }
0x6c: {  	[tilespmem:s29+$0x0] =	vst v4  }
0x6d: {  	s30 =	simm.s32 $0x10;
	s31 =	sadd.s32 $0x1, s25;
	s28 =	sshll.u32 s26, $0x4;
	[tilespmem:v3+s12+$0x0] =	vst.idx.msk $0x1, v2  }
.LBB2_7:
0x6e: {  	v3 =	vmov s31;
	p0 =	sne.s32 s30, $0xF0;
	s0 =	smov.u32 s30;
	s30 =	sadd.s32 $0x10, s30  }
.Ltmp2:
0x6f: {  	(pc) =	sbr.rel @p0 .LBB2_7-.Ltmp2, $4  }
0x70: {  	_ = 	snop  }
0x71: {  	s29 =	sadd.s32 $0x10, s29;
	v4 =	vor.u32 s0, v0  }
0x72: {  	[tilespmem:s29+$0x0] =	vst v4  }
0x73: {  	s31 =	sadd.s32 $0x1, s31;
	[tilespmem:v3+s12+$0x0] =	vst.idx.msk $0x1, v2  }
0x74: {  	[tilespmem:s2], [sflag:$0x3] =	stream.indirect.gather [hbm4b:s8+s18], $0x20, s13, s18, $0xb8;
	[tilespmem:$0x7D90] =	vst v63  }
0x75: {  	_ = 	snop  }
0x76: {  	[tilespmem:s19], [sflag:$0x3] =	stream.indirect.gather [hbm4b:s8+s18], $0x20, s3, s18, $0xb8;
	[tilespmem:$0x7D90] =	vst v63  }
0x77: {  	_ = 	snop  }
0x78: {  	[tilespmem:s20], [sflag:$0x3] =	stream.indirect.gather [hbm4b:s7+s18], $0x8, s13, s18, $0xb8;
	[tilespmem:$0x7D90] =	vst v63  }
0x79: {  	_ = 	snop  }
0x7a: {  	[tilespmem:s21], [sflag:$0x3] =	stream.indirect.gather [hbm4b:s7+s18], $0x8, s3, s18, $0xb8;
	[tilespmem:$0x7D90] =	vst v63  }
0x7b: {  	_ =	swait.ge [sflag:s22], $0x1000  }
0x7c: {  	[sflag:s22] =	ssyncset.done $0x0  }
0x7d: {  	[sflag:s22] =	ssyncadd.s32 $0xFFFFF000  }
0x7e: {  	_ =	swait.ge [sflag:s22], $0x1000  }
0x7f: {  	[sflag:s22] =	ssyncset.done $0x0  }
0x80: {  	[sflag:s22] =	ssyncadd.s32 $0xFFFFF000  }
0x81: {  	_ =	swait.ge [sflag:s22], $0x400  }
0x82: {  	[sflag:s22] =	ssyncset.done $0x0  }
0x83: {  	[sflag:s22] =	ssyncadd.s32 $0xFFFFFC00  }
0x84: {  	_ =	swait.ge [sflag:s22], $0x400  }
0x85: {  	[sflag:s22] =	ssyncset.done $0x0  }
0x86: {  	s0 =	sadd.s32 s11, s28;
	[sflag:s22] =	ssyncadd.s32 $0xFFFFFC00  }
0x87: {  	s28 =	sshll.u32 s0, $0x6;
	s29 =	rddreg [dreg:$0x2]  }
0x88: {  	s28 =	sadd.s32 s29, s28  }
0x89: {  	[hbm4b:s28+s5] =	stream.linear.scatter [tilespmem:s23], [sflag:$0x4], $0x2000, $0x38;
	[tilespmem:$0x7D90] =	vst v63  }
0x8a: {  	_ =	swait.ge [sflag:s14], $0x2000  }
0x8b: {  	[sflag:s14] =	ssyncset.done $0x0  }
0x8c: {  	s26 =	sadd.s32 $0x1, s26;
	s0 =	smul.u32 $0x6, s0;
	[sflag:s14] =	ssyncadd.s32 $0xFFFFE000  }
0x8d: {  	p0 =	sne.s32 s26, $0x10;
	s31 =	rddreg [dreg:$0x3]  }
.Ltmp3:
0x8e: {  	s0 =	sadd.s32 s31, s0;
	(pc) =	sbr.rel @p0 .LBB2_2-.Ltmp3, $4  }
0x8f: {  	[hbm4b:s0+s5] =	stream.linear.scatter [tilespmem:s24], [sflag:$0x4], $0x300, $0x38;
	[tilespmem:$0x7D90] =	vst v63  }
0x90: {  	_ =	swait.ge [sflag:s14], $0x300  }
0x91: {  	[sflag:s14] =	ssyncset.done $0x0  }
0x92: {  	s25 =	sadd.s32 $0x10, s25;
	[sflag:s14] =	ssyncadd.s32 $0xFFFFFD00  }
0x93: {  	s0 =	rddreg [dreg:$0x7]  }
0x94: {  	[hbm4b:s0+s5] =	stream.linear.scatter [tilespmem:s12], [sflag:$0x4], $0x100, $0x38;
	[tilespmem:$0x7D90] =	vst v63  }
0x95: {  	_ =	swait.ge [sflag:s14], $0x100  }
0x96: {  	s25 =	rddreg [dreg:$0x9]  }
0x97: {  	s31 =	rddreg [dreg:$0x8];
	s25 =	sadd.s32 $0x1, s25  }
0x98: {  	p0 =	sne.s32 s25, s31  }
.Ltmp4:
0x99: {  	_ = 	snop;
	(pc) =	sbr.rel @p0 .LBB2_1-.Ltmp4, $3  }
0x9a: {  	_ =	sdelay $0x1  }
0x9b: {  	[sflag:s14] =	ssyncset.done $0x0  }
0x9c: {  	[sflag:s14] =	ssyncadd.s32 $0xFFFFFF00  }
0x9d: {  	_ =	sfence.sel $0x180000  }
0x9e: {  	[bflag:$0x0] =	sbarrier.arrive $0xFFFF  }
0x9f: {  	_ =	strace $0x90000047  }
0xa0: {  	s0 =	stileid.u32;
	[bflag:$0x2] =	sbarrier.arrive $0xFFFF  }
0xa1: {  	p0 =	sne.s32 s0, $0x0;
	s0 =	rddreg [dreg:$0x4]  }
0xa2: {  	s0 =	sadd.s32 @!p0 $0x100000, s0  }
0xa3: {  	[sflag:s0] =	ssyncadd.tile.s32 @!p0 $0x1;
	_ =	shalt  }
.Lfunc_end2:
_tile_overlayer_lowered:
.L_overlay_start_2:
0xa4: {  	(tag) =	ssettag $0x2  }
0xa5: {  	s0 =	rddreg [dreg:$0x0];
	s2 =	stileid.u32  }
0xa6: {  	s1 =	rddreg [dreg:$0x1];
	p0 =	sne.s32 s2, $0x0  }
0xa7: {  	s3 =	rddreg [dreg:$0x2];
	[bflag:$0x3] =	sbarrier.arrive $0xFFFF;
	s2 =	simm.s32 @!p0 $0x1C04  }
0xa8: {  	[timem:s3], [sflag:s2] =	dma.local @!p0 [hbm:s0], s1  }
0xa9: {  	s0 =	simm.s32 @!p0 $0x4  }
0xaa: {  	_ =	swait.ge @!p0 [sflag:s0], s1  }
0xab: {  	s1 =	ssub.s32 @!p0 $0x0, s1;
	[sflag:s0] =	ssyncset.done @!p0 $0x0  }
0xac: {  	[sflag:s0] =	ssyncadd.s32 @!p0 s1  }
0xad: {  	[bflag:$0x3] =	sbarrier.arrive $0xFFFF  }
0xae: {  	_ =	shalt  }

</sc_bundles>
